<compile_context>
chip_gen: v7x
topology: tpu7x:2x2x1
jax: 0.10.2.dev20260603
libtpu: 0.0.44.dev20260713+nightly
codegen_flags: <defaults>
</compile_context>

<pallas_src>
import functools
import jax
import jax.numpy as jnp
from jax import lax
from jax.experimental import pallas as pl
from jax.experimental.pallas import tpu as pltpu
from jax.experimental.pallas import tpu_sc as plsc

D = 768
E = 8
T = 64
TB = 4
NC = 2
NS = 16
NW = NC * NS
L = 16
NK = D // L


def _make_sc_router(m_sc):
    tok_w = m_sc // NW
    nsub = tok_w // T
    mesh = plsc.VectorSubcoreMesh(core_axis_name="c", subcore_axis_name="s")

    @functools.partial(
        pl.kernel,
        out_type=jax.ShapeDtypeStruct((m_sc * E,), jnp.float32),
        mesh=mesh,
        scratch_types=[
            pltpu.VMEM((2, T * D), jnp.float32),
            pltpu.VMEM((D * E,), jnp.float32),
            pltpu.VMEM((2, T * E), jnp.float32),
            pltpu.VMEM((2 * L * L,), jnp.float32),
            pltpu.SemaphoreType.DMA((2,)),
            pltpu.SemaphoreType.DMA((2,)),
        ],
        compiler_params=pltpu.CompilerParams(
            use_tc_tiling_on_sc=False, needs_layout_passes=False),
    )
    def sc_router(x_hbm, wt_hbm, o_hbm, xbuf, wv, obuf, red, isems, osems):
        wid = lax.axis_index("s") * NC + lax.axis_index("c")
        base = wid * tok_w
        pltpu.sync_copy(wt_hbm, wv)
        iota = lax.iota(jnp.int32, L)

        def icopy(j):
            return pltpu.make_async_copy(
                x_hbm.at[pl.ds((base + j * T) * D, T * D)],
                xbuf.at[j % 2],
                isems.at[j % 2],
            )

        def ocopy(j):
            return pltpu.make_async_copy(
                obuf.at[j % 2],
                o_hbm.at[pl.ds((base + j * T) * E, T * E)],
                osems.at[j % 2],
            )

        icopy(0).start()
        for j in range(nsub):
            if j + 1 < nsub:
                icopy(j + 1).start()
            icopy(j).wait()
            if j >= 2:
                ocopy(j - 2).wait()
            xb = xbuf.at[j % 2]
            ob = obuf.at[j % 2]

            def tb_body(tb, _):
                def k_body(k, accs):
                    koff = pl.multiple_of(k * L, L)
                    ws = [wv[pl.ds(pl.multiple_of(e * D + k * L, L), L)]
                          for e in range(E)]
                    new = []
                    for c in range(TB):
                        toff = pl.multiple_of((tb * TB + c) * D + k * L, L)
                        xv = xb[pl.ds(toff, L)]
                        new.append(tuple(accs[c][e] + xv * ws[e]
                                         for e in range(E)))
                    return tuple(new)

                zero = jnp.zeros((L,), jnp.float32)
                init = tuple(tuple(zero for _ in range(E)) for _ in range(TB))
                accs = lax.fori_loop(0, NK, k_body, init)
                for c in range(TB):
                    for e in range(E):
                        r = c * E + e
                        red[pl.ds(r * L, L)] = accs[c][e]
                for blk in range(2):
                    tot = None
                    for l in range(L):
                        idx = blk * L * L + iota * L + ((l + iota) & (L - 1))
                        dv = plsc.load_gather(red, [idx])
                        tot = dv if tot is None else tot + dv
                    ooff = pl.multiple_of((tb * TB) * E + blk * L, L)
                    ob[pl.ds(ooff, L)] = tot
                return 0

            lax.fori_loop(0, T // TB, tb_body, 0)
            ocopy(j).start()
        for j in range(max(nsub - 2, 0), nsub):
            ocopy(j).wait()

    return sc_router


M_SC = 2048


def kernel(x, W):
    B, S, D_ = x.shape
    M = B * S
    x2 = x.reshape(M, D_)
    wt = W.T.reshape(D * E)
    out_sc = _make_sc_router(M_SC)(
        x2[:M_SC].reshape(M_SC * D), wt).reshape(M_SC, E)
    out_tc = jnp.dot(x2[M_SC:], W)
    out = jnp.concatenate([out_sc, out_tc], axis=0)
    return out.reshape(B, S, E)

# --- scband reference (transcript-rebuilt; emitter-appended) ---
"""Pipeline reference for scband-router-12335146074162 (READ-ONLY COPY).

The authoritative reference and input builder live on the scoring server;
editing this copy changes nothing except your own understanding.
"""

import jax, jax.numpy as jnp
import numpy as np

EMBED_DIM = 768
NUM_EXPERTS = 8

def setup_inputs(seed: int = 0) -> dict:
    key = jax.random.key(seed)
    k_x, k_w = jax.random.split(key)
    x = jax.random.normal(k_x, (4, 8192, EMBED_DIM), dtype=jnp.float32)
    # Dense kernel with truncated_normal init (stddev 0.05 like keras default truncated_normal)
    W = jax.random.truncated_normal(k_w, -2.0, 2.0, (EMBED_DIM, NUM_EXPERTS), dtype=jnp.float32) * 0.05
    return {"x": x, "W": W}

def reference(x, W):
    # Router: dense projection without bias -> router logits [B, S, E]
    router_logits = jnp.einsum('bsd,de->bse', x, W)
    return router_logits

if __name__ == "__main__":
    import jax
    _d = setup_inputs()
    print(jax.jit(kernel)(*tuple(_d.values())))

</pallas_src>

<mosaic_0001>
#map = affine_map<(d0, d1) -> (0)>
module attributes {stable_mosaic.version = 14 : i64} {
  func.func @sc_router(%arg0: i32, %arg1: i32, %arg2: memref<1572864xf32, #tpu.memory_space<hbm>>, %arg3: memref<6144xf32, #tpu.memory_space<hbm>>, %arg4: memref<16384xf32, #tpu.memory_space<hbm>>, %arg5: memref<2x49152xf32, #tpu.memory_space<vmem>>, %arg6: memref<6144xf32, #tpu.memory_space<vmem>>, %arg7: memref<2x512xf32, #tpu.memory_space<vmem>>, %arg8: memref<512xf32, #tpu.memory_space<vmem>>, %arg9: memref<2x!tpu.dma_semaphore, #tpu.memory_space<semaphore_mem>>, %arg10: memref<2x!tpu.dma_semaphore, #tpu.memory_space<semaphore_mem>>) attributes {dimension_semantics = [#tpu.dimension_semantics<core_parallel>, #tpu.dimension_semantics<subcore_parallel>], iteration_bounds = array<i64: 2, 16>, scalar_prefetch = 0 : i64, scratch_operands = 6 : i64, tpu.core_type = #tpu.core_type<sc_vector_subcore>, window_params = [{transform_indices = #map}, {transform_indices = #map}, {transform_indices = #map}]} {
    %mul3A = arith.constant 2 : i32
    %mul3A_0 = arith.muli %arg1, %mul3A : i32
    %add3A = arith.addi %mul3A_0, %arg0 : i32
    %mul3A_1 = arith.constant 64 : i32
    %mul3A_2 = arith.muli %add3A, %mul3A_1 : i32
    "tpu.region"() ({
      %run_scoped3A = tpu.sem_alloc : memref<!tpu.dma_semaphore, #tpu.memory_space<semaphore_mem>>
      tpu.enqueue_dma source(%arg3 : memref<6144xf32, #tpu.memory_space<hbm>>) target(%arg6 : memref<6144xf32, #tpu.memory_space<vmem>>) target_semaphore(%run_scoped3A : memref<!tpu.dma_semaphore, #tpu.memory_space<semaphore_mem>>)
      tpu.wait_dma2 semaphore(%run_scoped3A : memref<!tpu.dma_semaphore, #tpu.memory_space<semaphore_mem>>) src(%arg3 : memref<6144xf32, #tpu.memory_space<hbm>>) dst(%arg6 : memref<6144xf32, #tpu.memory_space<vmem>>)
      tpu.yield
    }) : () -> ()
    %iota3A = tpu.iota {dimensions = array<i32: 0>} : vector<16xi32>
    %add3A_3 = arith.constant 0 : i32
    %add3A_4 = arith.addi %mul3A_2, %add3A_3 : i32
    %mul3A_5 = arith.constant 768 : i32
    %mul3A_6 = arith.muli %add3A_4, %mul3A_5 : i32
    %dma_start3A = arith.constant 0 : i32
    %dma_start3A_7 = arith.constant 0 : i32
    %dma_start3A_8 = arith.constant 0 : i32
    %dma_start3A_9 = tpu.memref_slice %arg5[%dma_start3A, %dma_start3A_8] : memref<2x49152xf32, #tpu.memory_space<vmem>> -> memref<1x49152xf32, #tpu.memory_space<vmem>>
    %dma_start3A_10 = tpu.memref_squeeze %dma_start3A_9 : memref<1x49152xf32, #tpu.memory_space<vmem>> -> memref<49152xf32, #tpu.memory_space<vmem>>
    %dma_start3A_11 = tpu.memref_slice %arg2[%mul3A_6] : memref<1572864xf32, #tpu.memory_space<hbm>> -> memref<49152xf32, #tpu.memory_space<hbm>>
    %dma_start3A_12 = tpu.memref_slice %arg9[%dma_start3A_7] : memref<2x!tpu.dma_semaphore, #tpu.memory_space<semaphore_mem>> -> memref<1x!tpu.dma_semaphore, #tpu.memory_space<semaphore_mem>>
    %dma_start3A_13 = tpu.memref_squeeze %dma_start3A_12 : memref<1x!tpu.dma_semaphore, #tpu.memory_space<semaphore_mem>> -> memref<!tpu.dma_semaphore, #tpu.memory_space<semaphore_mem>>
    %dma_start3A_14 = arith.constant 0 : i32
    %dma_start3A_15 = tpu.memref_slice %arg5[%dma_start3A, %dma_start3A_14] : memref<2x49152xf32, #tpu.memory_space<vmem>> -> memref<1x49152xf32, #tpu.memory_space<vmem>>
    %dma_start3A_16 = tpu.memref_squeeze %dma_start3A_15 : memref<1x49152xf32, #tpu.memory_space<vmem>> -> memref<49152xf32, #tpu.memory_space<vmem>>
    %dma_start3A_17 = tpu.memref_slice %arg2[%mul3A_6] : memref<1572864xf32, #tpu.memory_space<hbm>> -> memref<49152xf32, #tpu.memory_space<hbm>>
    tpu.enqueue_dma source(%dma_start3A_17 : memref<49152xf32, #tpu.memory_space<hbm>>) target(%dma_start3A_16 : memref<49152xf32, #tpu.memory_space<vmem>>) target_semaphore(%dma_start3A_13 : memref<!tpu.dma_semaphore, #tpu.memory_space<semaphore_mem>>)
    %add3A_18 = arith.constant 0 : i32
    %add3A_19 = arith.addi %mul3A_2, %add3A_18 : i32
    %mul3A_20 = arith.constant 768 : i32
    %mul3A_21 = arith.muli %add3A_19, %mul3A_20 : i32
    %dma_wait3A = arith.constant 0 : i32
    %dma_wait3A_22 = arith.constant 0 : i32
    %dma_wait3A_23 = arith.constant 0 : i32
    %dma_wait3A_24 = tpu.memref_slice %arg5[%dma_wait3A, %dma_wait3A_23] : memref<2x49152xf32, #tpu.memory_space<vmem>> -> memref<1x49152xf32, #tpu.memory_space<vmem>>
    %dma_wait3A_25 = tpu.memref_squeeze %dma_wait3A_24 : memref<1x49152xf32, #tpu.memory_space<vmem>> -> memref<49152xf32, #tpu.memory_space<vmem>>
    %dma_wait3A_26 = tpu.memref_slice %arg2[%mul3A_21] : memref<1572864xf32, #tpu.memory_space<hbm>> -> memref<49152xf32, #tpu.memory_space<hbm>>
    %dma_wait3A_27 = tpu.memref_slice %arg9[%dma_wait3A_22] : memref<2x!tpu.dma_semaphore, #tpu.memory_space<semaphore_mem>> -> memref<1x!tpu.dma_semaphore, #tpu.memory_space<semaphore_mem>>
    %dma_wait3A_28 = tpu.memref_squeeze %dma_wait3A_27 : memref<1x!tpu.dma_semaphore, #tpu.memory_space<semaphore_mem>> -> memref<!tpu.dma_semaphore, #tpu.memory_space<semaphore_mem>>
    %dma_wait3A_29 = arith.constant 0 : i32
    %dma_wait3A_30 = tpu.memref_slice %arg5[%dma_wait3A, %dma_wait3A_29] : memref<2x49152xf32, #tpu.memory_space<vmem>> -> memref<1x49152xf32, #tpu.memory_space<vmem>>
    %dma_wait3A_31 = tpu.memref_squeeze %dma_wait3A_30 : memref<1x49152xf32, #tpu.memory_space<vmem>> -> memref<49152xf32, #tpu.memory_space<vmem>>
    %dma_wait3A_32 = tpu.memref_slice %arg2[%mul3A_21] : memref<1572864xf32, #tpu.memory_space<hbm>> -> memref<49152xf32, #tpu.memory_space<hbm>>
    tpu.wait_dma2 semaphore(%dma_wait3A_28 : memref<!tpu.dma_semaphore, #tpu.memory_space<semaphore_mem>>) src(%dma_wait3A_32 : memref<49152xf32, #tpu.memory_space<hbm>>) dst(%dma_wait3A_31 : memref<49152xf32, #tpu.memory_space<vmem>>)
    %scan3A = arith.constant 0 : i32
    %scan3A_33 = arith.constant 0 : i32
    %scan3A_34 = arith.constant 0 : i32
    %scan3A_35 = arith.constant 0 : i32
    %scan3A_36 = arith.constant 16 : i32
    %scan3A_37 = arith.addi %scan3A_35, %scan3A_36 : i32
    %scan3A_38 = arith.constant 1 : i32
    %scan3A_39 = scf.for %scan3A_73 = %scan3A_35 to %scan3A_37 step %scan3A_38 iter_args(%scan3A_74 = %scan3A_34) -> (i32)  : i32 {
      %broadcast_in_dim3A = arith.constant 0.000000e+00 : f32
      %broadcast_in_dim3A_75 = vector.broadcast %broadcast_in_dim3A : f32 to vector<16xf32>
      %scan3A_76 = arith.constant 0 : i32
      %scan3A_77 = arith.constant 48 : i32
      %scan3A_78 = arith.addi %scan3A_76, %scan3A_77 : i32
      %scan3A_79 = arith.constant 1 : i32
      %scan3A_80:32 = scf.for %scan3A_645 = %scan3A_76 to %scan3A_78 step %scan3A_79 iter_args(%scan3A_646 = %broadcast_in_dim3A_75, %scan3A_647 = %broadcast_in_dim3A_75, %scan3A_648 = %broadcast_in_dim3A_75, %scan3A_649 = %broadcast_in_dim3A_75, %scan3A_650 = %broadcast_in_dim3A_75, %scan3A_651 = %broadcast_in_dim3A_75, %scan3A_652 = %broadcast_in_dim3A_75, %scan3A_653 = %broadcast_in_dim3A_75, %scan3A_654 = %broadcast_in_dim3A_75, %scan3A_655 = %broadcast_in_dim3A_75, %scan3A_656 = %broadcast_in_dim3A_75, %scan3A_657 = %broadcast_in_dim3A_75, %scan3A_658 = %broadcast_in_dim3A_75, %scan3A_659 = %broadcast_in_dim3A_75, %scan3A_660 = %broadcast_in_dim3A_75, %scan3A_661 = %broadcast_in_dim3A_75, %scan3A_662 = %broadcast_in_dim3A_75, %scan3A_663 = %broadcast_in_dim3A_75, %scan3A_664 = %broadcast_in_dim3A_75, %scan3A_665 = %broadcast_in_dim3A_75, %scan3A_666 = %broadcast_in_dim3A_75, %scan3A_667 = %broadcast_in_dim3A_75, %scan3A_668 = %broadcast_in_dim3A_75, %scan3A_669 = %broadcast_in_dim3A_75, %scan3A_670 = %broadcast_in_dim3A_75, %scan3A_671 = %broadcast_in_dim3A_75, %scan3A_672 = %broadcast_in_dim3A_75, %scan3A_673 = %broadcast_in_dim3A_75, %scan3A_674 = %broadcast_in_dim3A_75, %scan3A_675 = %broadcast_in_dim3A_75, %scan3A_676 = %broadcast_in_dim3A_75, %scan3A_677 = %broadcast_in_dim3A_75) -> (vector<16xf32>, vector<16xf32>, vector<16xf32>, vector<16xf32>, vector<16xf32>, vector<16xf32>, vector<16xf32>, vector<16xf32>, vector<16xf32>, vector<16xf32>, vector<16xf32>, vector<16xf32>, vector<16xf32>, vector<16xf32>, vector<16xf32>, vector<16xf32>, vector<16xf32>, vector<16xf32>, vector<16xf32>, vector<16xf32>, vector<16xf32>, vector<16xf32>, vector<16xf32>, vector<16xf32>, vector<16xf32>, vector<16xf32>, vector<16xf32>, vector<16xf32>, vector<16xf32>, vector<16xf32>, vector<16xf32>, vector<16xf32>)  : i32 {
        %mul3A_678 = arith.constant 16 : i32
        %mul3A_679 = arith.muli %scan3A_645, %mul3A_678 : i32
        %multiple_of3A_680 = tpu.assume_multiple %mul3A_679, 16 : i32
        %mul3A_681 = arith.constant 16 : i32
        %mul3A_682 = arith.muli %scan3A_645, %mul3A_681 : i32
        %add3A_683 = arith.constant 0 : i32
        %add3A_684 = arith.addi %add3A_683, %mul3A_682 : i32
        %multiple_of3A_685 = tpu.assume_multiple %add3A_684, 16 : i32
        %get3A = arith.index_cast %multiple_of3A_685 : i32 to index
        %get3A_686 = tpu.vector_load %arg6[%get3A] {strides = array<i32>} : memref<6144xf32, #tpu.memory_space<vmem>>, vector<16xf32>,
        %mul3A_687 = arith.constant 16 : i32
        %mul3A_688 = arith.muli %scan3A_645, %mul3A_687 : i32
        %add3A_689 = arith.constant 768 : i32
        %add3A_690 = arith.addi %add3A_689, %mul3A_688 : i32
        %multiple_of3A_691 = tpu.assume_multiple %add3A_690, 16 : i32
        %get3A_692 = arith.index_cast %multiple_of3A_691 : i32 to index
        %get3A_693 = tpu.vector_load %arg6[%get3A_692] {strides = array<i32>} : memref<6144xf32, #tpu.memory_space<vmem>>, vector<16xf32>,
        %mul3A_694 = arith.constant 16 : i32
        %mul3A_695 = arith.muli %scan3A_645, %mul3A_694 : i32
        %add3A_696 = arith.constant 1536 : i32
        %add3A_697 = arith.addi %add3A_696, %mul3A_695 : i32
        %multiple_of3A_698 = tpu.assume_multiple %add3A_697, 16 : i32
        %get3A_699 = arith.index_cast %multiple_of3A_698 : i32 to index
        %get3A_700 = tpu.vector_load %arg6[%get3A_699] {strides = array<i32>} : memref<6144xf32, #tpu.memory_space<vmem>>, vector<16xf32>,
        %mul3A_701 = arith.constant 16 : i32
        %mul3A_702 = arith.muli %scan3A_645, %mul3A_701 : i32
        %add3A_703 = arith.constant 2304 : i32
        %add3A_704 = arith.addi %add3A_703, %mul3A_702 : i32
        %multiple_of3A_705 = tpu.assume_multiple %add3A_704, 16 : i32
        %get3A_706 = arith.index_cast %multiple_of3A_705 : i32 to index
        %get3A_707 = tpu.vector_load %arg6[%get3A_706] {strides = array<i32>} : memref<6144xf32, #tpu.memory_space<vmem>>, vector<16xf32>,
        %mul3A_708 = arith.constant 16 : i32
        %mul3A_709 = arith.muli %scan3A_645, %mul3A_708 : i32
        %add3A_710 = arith.constant 3072 : i32
        %add3A_711 = arith.addi %add3A_710, %mul3A_709 : i32
        %multiple_of3A_712 = tpu.assume_multiple %add3A_711, 16 : i32
        %get3A_713 = arith.index_cast %multiple_of3A_712 : i32 to index
        %get3A_714 = tpu.vector_load %arg6[%get3A_713] {strides = array<i32>} : memref<6144xf32, #tpu.memory_space<vmem>>, vector<16xf32>,
        %mul3A_715 = arith.constant 16 : i32
        %mul3A_716 = arith.muli %scan3A_645, %mul3A_715 : i32
        %add3A_717 = arith.constant 3840 : i32
        %add3A_718 = arith.addi %add3A_717, %mul3A_716 : i32
        %multiple_of3A_719 = tpu.assume_multiple %add3A_718, 16 : i32
        %get3A_720 = arith.index_cast %multiple_of3A_719 : i32 to index
        %get3A_721 = tpu.vector_load %arg6[%get3A_720] {strides = array<i32>} : memref<6144xf32, #tpu.memory_space<vmem>>, vector<16xf32>,
        %mul3A_722 = arith.constant 16 : i32
        %mul3A_723 = arith.muli %scan3A_645, %mul3A_722 : i32
        %add3A_724 = arith.constant 4608 : i32
        %add3A_725 = arith.addi %add3A_724, %mul3A_723 : i32
        %multiple_of3A_726 = tpu.assume_multiple %add3A_725, 16 : i32
        %get3A_727 = arith.index_cast %multiple_of3A_726 : i32 to index
        %get3A_728 = tpu.vector_load %arg6[%get3A_727] {strides = array<i32>} : memref<6144xf32, #tpu.memory_space<vmem>>, vector<16xf32>,
        %mul3A_729 = arith.constant 16 : i32
        %mul3A_730 = arith.muli %scan3A_645, %mul3A_729 : i32
        %add3A_731 = arith.constant 5376 : i32
        %add3A_732 = arith.addi %add3A_731, %mul3A_730 : i32
        %multiple_of3A_733 = tpu.assume_multiple %add3A_732, 16 : i32
        %get3A_734 = arith.index_cast %multiple_of3A_733 : i32 to index
        %get3A_735 = tpu.vector_load %arg6[%get3A_734] {strides = array<i32>} : memref<6144xf32, #tpu.memory_space<vmem>>, vector<16xf32>,
        %mul3A_736 = arith.constant 4 : i32
        %mul3A_737 = arith.muli %scan3A_73, %mul3A_736 : i32
        %add3A_738 = arith.constant 0 : i32
        %add3A_739 = arith.addi %mul3A_737, %add3A_738 : i32
        %mul3A_740 = arith.constant 768 : i32
        %mul3A_741 = arith.muli %add3A_739, %mul3A_740 : i32
        %mul3A_742 = arith.constant 16 : i32
        %mul3A_743 = arith.muli %scan3A_645, %mul3A_742 : i32
        %add3A_744 = arith.addi %mul3A_741, %mul3A_743 : i32
        %multiple_of3A_745 = tpu.assume_multiple %add3A_744, 16 : i32
        %get3A_746 = arith.constant 0 : i32
        %get3A_747 = tpu.memref_slice %arg5[%scan3A, %get3A_746] : memref<2x49152xf32, #tpu.memory_space<vmem>> -> memref<1x49152xf32, #tpu.memory_space<vmem>>
        %get3A_748 = tpu.memref_squeeze %get3A_747 : memref<1x49152xf32, #tpu.memory_space<vmem>> -> memref<49152xf32, #tpu.memory_space<vmem>>
        %get3A_749 = arith.index_cast %multiple_of3A_745 : i32 to index
        %get3A_750 = tpu.vector_load %get3A_748[%get3A_749] {strides = array<i32>} : memref<49152xf32, #tpu.memory_space<vmem>>, vector<16xf32>,
        %mul3A_751 = arith.mulf %get3A_750, %get3A_686 : vector<16xf32>
        %add3A_752 = arith.addf %scan3A_646, %mul3A_751 : vector<16xf32>
        %mul3A_753 = arith.mulf %get3A_750, %get3A_693 : vector<16xf32>
        %add3A_754 = arith.addf %scan3A_647, %mul3A_753 : vector<16xf32>
        %mul3A_755 = arith.mulf %get3A_750, %get3A_700 : vector<16xf32>
        %add3A_756 = arith.addf %scan3A_648, %mul3A_755 : vector<16xf32>
        %mul3A_757 = arith.mulf %get3A_750, %get3A_707 : vector<16xf32>
        %add3A_758 = arith.addf %scan3A_649, %mul3A_757 : vector<16xf32>
        %mul3A_759 = arith.mulf %get3A_750, %get3A_714 : vector<16xf32>
        %add3A_760 = arith.addf %scan3A_650, %mul3A_759 : vector<16xf32>
        %mul3A_761 = arith.mulf %get3A_750, %get3A_721 : vector<16xf32>
        %add3A_762 = arith.addf %scan3A_651, %mul3A_761 : vector<16xf32>
        %mul3A_763 = arith.mulf %get3A_750, %get3A_728 : vector<16xf32>
        %add3A_764 = arith.addf %scan3A_652, %mul3A_763 : vector<16xf32>
        %mul3A_765 = arith.mulf %get3A_750, %get3A_735 : vector<16xf32>
        %add3A_766 = arith.addf %scan3A_653, %mul3A_765 : vector<16xf32>
        %mul3A_767 = arith.constant 4 : i32
        %mul3A_768 = arith.muli %scan3A_73, %mul3A_767 : i32
        %add3A_769 = arith.constant 1 : i32
        %add3A_770 = arith.addi %mul3A_768, %add3A_769 : i32
        %mul3A_771 = arith.constant 768 : i32
        %mul3A_772 = arith.muli %add3A_770, %mul3A_771 : i32
        %mul3A_773 = arith.constant 16 : i32
        %mul3A_774 = arith.muli %scan3A_645, %mul3A_773 : i32
        %add3A_775 = arith.addi %mul3A_772, %mul3A_774 : i32
        %multiple_of3A_776 = tpu.assume_multiple %add3A_775, 16 : i32
        %get3A_777 = arith.constant 0 : i32
        %get3A_778 = tpu.memref_slice %arg5[%scan3A, %get3A_777] : memref<2x49152xf32, #tpu.memory_space<vmem>> -> memref<1x49152xf32, #tpu.memory_space<vmem>>
        %get3A_779 = tpu.memref_squeeze %get3A_778 : memref<1x49152xf32, #tpu.memory_space<vmem>> -> memref<49152xf32, #tpu.memory_space<vmem>>
        %get3A_780 = arith.index_cast %multiple_of3A_776 : i32 to index
        %get3A_781 = tpu.vector_load %get3A_779[%get3A_780] {strides = array<i32>} : memref<49152xf32, #tpu.memory_space<vmem>>, vector<16xf32>,
        %mul3A_782 = arith.mulf %get3A_781, %get3A_686 : vector<16xf32>
        %add3A_783 = arith.addf %scan3A_654, %mul3A_782 : vector<16xf32>
        %mul3A_784 = arith.mulf %get3A_781, %get3A_693 : vector<16xf32>
        %add3A_785 = arith.addf %scan3A_655, %mul3A_784 : vector<16xf32>
        %mul3A_786 = arith.mulf %get3A_781, %get3A_700 : vector<16xf32>
        %add3A_787 = arith.addf %scan3A_656, %mul3A_786 : vector<16xf32>
        %mul3A_788 = arith.mulf %get3A_781, %get3A_707 : vector<16xf32>
        %add3A_789 = arith.addf %scan3A_657, %mul3A_788 : vector<16xf32>
        %mul3A_790 = arith.mulf %get3A_781, %get3A_714 : vector<16xf32>
        %add3A_791 = arith.addf %scan3A_658, %mul3A_790 : vector<16xf32>
        %mul3A_792 = arith.mulf %get3A_781, %get3A_721 : vector<16xf32>
        %add3A_793 = arith.addf %scan3A_659, %mul3A_792 : vector<16xf32>
        %mul3A_794 = arith.mulf %get3A_781, %get3A_728 : vector<16xf32>
        %add3A_795 = arith.addf %scan3A_660, %mul3A_794 : vector<16xf32>
        %mul3A_796 = arith.mulf %get3A_781, %get3A_735 : vector<16xf32>
        %add3A_797 = arith.addf %scan3A_661, %mul3A_796 : vector<16xf32>
        %mul3A_798 = arith.constant 4 : i32
        %mul3A_799 = arith.muli %scan3A_73, %mul3A_798 : i32
        %add3A_800 = arith.constant 2 : i32
        %add3A_801 = arith.addi %mul3A_799, %add3A_800 : i32
        %mul3A_802 = arith.constant 768 : i32
        %mul3A_803 = arith.muli %add3A_801, %mul3A_802 : i32
        %mul3A_804 = arith.constant 16 : i32
        %mul3A_805 = arith.muli %scan3A_645, %mul3A_804 : i32
        %add3A_806 = arith.addi %mul3A_803, %mul3A_805 : i32
        %multiple_of3A_807 = tpu.assume_multiple %add3A_806, 16 : i32
        %get3A_808 = arith.constant 0 : i32
        %get3A_809 = tpu.memref_slice %arg5[%scan3A, %get3A_808] : memref<2x49152xf32, #tpu.memory_space<vmem>> -> memref<1x49152xf32, #tpu.memory_space<vmem>>
        %get3A_810 = tpu.memref_squeeze %get3A_809 : memref<1x49152xf32, #tpu.memory_space<vmem>> -> memref<49152xf32, #tpu.memory_space<vmem>>
        %get3A_811 = arith.index_cast %multiple_of3A_807 : i32 to index
        %get3A_812 = tpu.vector_load %get3A_810[%get3A_811] {strides = array<i32>} : memref<49152xf32, #tpu.memory_space<vmem>>, vector<16xf32>,
        %mul3A_813 = arith.mulf %get3A_812, %get3A_686 : vector<16xf32>
        %add3A_814 = arith.addf %scan3A_662, %mul3A_813 : vector<16xf32>
        %mul3A_815 = arith.mulf %get3A_812, %get3A_693 : vector<16xf32>
        %add3A_816 = arith.addf %scan3A_663, %mul3A_815 : vector<16xf32>
        %mul3A_817 = arith.mulf %get3A_812, %get3A_700 : vector<16xf32>
        %add3A_818 = arith.addf %scan3A_664, %mul3A_817 : vector<16xf32>
        %mul3A_819 = arith.mulf %get3A_812, %get3A_707 : vector<16xf32>
        %add3A_820 = arith.addf %scan3A_665, %mul3A_819 : vector<16xf32>
        %mul3A_821 = arith.mulf %get3A_812, %get3A_714 : vector<16xf32>
        %add3A_822 = arith.addf %scan3A_666, %mul3A_821 : vector<16xf32>
        %mul3A_823 = arith.mulf %get3A_812, %get3A_721 : vector<16xf32>
        %add3A_824 = arith.addf %scan3A_667, %mul3A_823 : vector<16xf32>
        %mul3A_825 = arith.mulf %get3A_812, %get3A_728 : vector<16xf32>
        %add3A_826 = arith.addf %scan3A_668, %mul3A_825 : vector<16xf32>
        %mul3A_827 = arith.mulf %get3A_812, %get3A_735 : vector<16xf32>
        %add3A_828 = arith.addf %scan3A_669, %mul3A_827 : vector<16xf32>
        %mul3A_829 = arith.constant 4 : i32
        %mul3A_830 = arith.muli %scan3A_73, %mul3A_829 : i32
        %add3A_831 = arith.constant 3 : i32
        %add3A_832 = arith.addi %mul3A_830, %add3A_831 : i32
        %mul3A_833 = arith.constant 768 : i32
        %mul3A_834 = arith.muli %add3A_832, %mul3A_833 : i32
        %mul3A_835 = arith.constant 16 : i32
        %mul3A_836 = arith.muli %scan3A_645, %mul3A_835 : i32
        %add3A_837 = arith.addi %mul3A_834, %mul3A_836 : i32
        %multiple_of3A_838 = tpu.assume_multiple %add3A_837, 16 : i32
        %get3A_839 = arith.constant 0 : i32
        %get3A_840 = tpu.memref_slice %arg5[%scan3A, %get3A_839] : memref<2x49152xf32, #tpu.memory_space<vmem>> -> memref<1x49152xf32, #tpu.memory_space<vmem>>
        %get3A_841 = tpu.memref_squeeze %get3A_840 : memref<1x49152xf32, #tpu.memory_space<vmem>> -> memref<49152xf32, #tpu.memory_space<vmem>>
        %get3A_842 = arith.index_cast %multiple_of3A_838 : i32 to index
        %get3A_843 = tpu.vector_load %get3A_841[%get3A_842] {strides = array<i32>} : memref<49152xf32, #tpu.memory_space<vmem>>, vector<16xf32>,
        %mul3A_844 = arith.mulf %get3A_843, %get3A_686 : vector<16xf32>
        %add3A_845 = arith.addf %scan3A_670, %mul3A_844 : vector<16xf32>
        %mul3A_846 = arith.mulf %get3A_843, %get3A_693 : vector<16xf32>
        %add3A_847 = arith.addf %scan3A_671, %mul3A_846 : vector<16xf32>
        %mul3A_848 = arith.mulf %get3A_843, %get3A_700 : vector<16xf32>
        %add3A_849 = arith.addf %scan3A_672, %mul3A_848 : vector<16xf32>
        %mul3A_850 = arith.mulf %get3A_843, %get3A_707 : vector<16xf32>
        %add3A_851 = arith.addf %scan3A_673, %mul3A_850 : vector<16xf32>
        %mul3A_852 = arith.mulf %get3A_843, %get3A_714 : vector<16xf32>
        %add3A_853 = arith.addf %scan3A_674, %mul3A_852 : vector<16xf32>
        %mul3A_854 = arith.mulf %get3A_843, %get3A_721 : vector<16xf32>
        %add3A_855 = arith.addf %scan3A_675, %mul3A_854 : vector<16xf32>
        %mul3A_856 = arith.mulf %get3A_843, %get3A_728 : vector<16xf32>
        %add3A_857 = arith.addf %scan3A_676, %mul3A_856 : vector<16xf32>
        %mul3A_858 = arith.mulf %get3A_843, %get3A_735 : vector<16xf32>
        %add3A_859 = arith.addf %scan3A_677, %mul3A_858 : vector<16xf32>
        scf.yield %add3A_752, %add3A_754, %add3A_756, %add3A_758, %add3A_760, %add3A_762, %add3A_764, %add3A_766, %add3A_783, %add3A_785, %add3A_787, %add3A_789, %add3A_791, %add3A_793, %add3A_795, %add3A_797, %add3A_814, %add3A_816, %add3A_818, %add3A_820, %add3A_822, %add3A_824, %add3A_826, %add3A_828, %add3A_845, %add3A_847, %add3A_849, %add3A_851, %add3A_853, %add3A_855, %add3A_857, %add3A_859 : vector<16xf32>, vector<16xf32>, vector<16xf32>, vector<16xf32>, vector<16xf32>, vector<16xf32>, vector<16xf32>, vector<16xf32>, vector<16xf32>, vector<16xf32>, vector<16xf32>, vector<16xf32>, vector<16xf32>, vector<16xf32>, vector<16xf32>, vector<16xf32>, vector<16xf32>, vector<16xf32>, vector<16xf32>, vector<16xf32>, vector<16xf32>, vector<16xf32>, vector<16xf32>, vector<16xf32>, vector<16xf32>, vector<16xf32>, vector<16xf32>, vector<16xf32>, vector<16xf32>, vector<16xf32>, vector<16xf32>, vector<16xf32>
      }
      %scan3A_81 = arith.constant 48 : i32
      %swap3A = arith.constant 0 : index
      %swap3A_82 = tpu.vector_load %arg8[%swap3A] {strides = array<i32>} : memref<512xf32, #tpu.memory_space<vmem>>, vector<16xf32>,
      tpu.vector_store %arg8[%swap3A], %scan3A_80#0 {strides = array<i32>} : memref<512xf32, #tpu.memory_space<vmem>>, vector<16xf32>,
      %swap3A_83 = arith.constant 16 : index
      %swap3A_84 = tpu.vector_load %arg8[%swap3A_83] {strides = array<i32>} : memref<512xf32, #tpu.memory_space<vmem>>, vector<16xf32>,
      tpu.vector_store %arg8[%swap3A_83], %scan3A_80#1 {strides = array<i32>} : memref<512xf32, #tpu.memory_space<vmem>>, vector<16xf32>,
      %swap3A_85 = arith.constant 32 : index
      %swap3A_86 = tpu.vector_load %arg8[%swap3A_85] {strides = array<i32>} : memref<512xf32, #tpu.memory_space<vmem>>, vector<16xf32>,
      tpu.vector_store %arg8[%swap3A_85], %scan3A_80#2 {strides = array<i32>} : memref<512xf32, #tpu.memory_space<vmem>>, vector<16xf32>,
      %swap3A_87 = arith.constant 48 : index
      %swap3A_88 = tpu.vector_load %arg8[%swap3A_87] {strides = array<i32>} : memref<512xf32, #tpu.memory_space<vmem>>, vector<16xf32>,
      tpu.vector_store %arg8[%swap3A_87], %scan3A_80#3 {strides = array<i32>} : memref<512xf32, #tpu.memory_space<vmem>>, vector<16xf32>,
      %swap3A_89 = arith.constant 64 : index
      %swap3A_90 = tpu.vector_load %arg8[%swap3A_89] {strides = array<i32>} : memref<512xf32, #tpu.memory_space<vmem>>, vector<16xf32>,
      tpu.vector_store %arg8[%swap3A_89], %scan3A_80#4 {strides = array<i32>} : memref<512xf32, #tpu.memory_space<vmem>>, vector<16xf32>,
      %swap3A_91 = arith.constant 80 : index
      %swap3A_92 = tpu.vector_load %arg8[%swap3A_91] {strides = array<i32>} : memref<512xf32, #tpu.memory_space<vmem>>, vector<16xf32>,
      tpu.vector_store %arg8[%swap3A_91], %scan3A_80#5 {strides = array<i32>} : memref<512xf32, #tpu.memory_space<vmem>>, vector<16xf32>,
      %swap3A_93 = arith.constant 96 : index
      %swap3A_94 = tpu.vector_load %arg8[%swap3A_93] {strides = array<i32>} : memref<512xf32, #tpu.memory_space<vmem>>, vector<16xf32>,
      tpu.vector_store %arg8[%swap3A_93], %scan3A_80#6 {strides = array<i32>} : memref<512xf32, #tpu.memory_space<vmem>>, vector<16xf32>,
      %swap3A_95 = arith.constant 112 : index
      %swap3A_96 = tpu.vector_load %arg8[%swap3A_95] {strides = array<i32>} : memref<512xf32, #tpu.memory_space<vmem>>, vector<16xf32>,
      tpu.vector_store %arg8[%swap3A_95], %scan3A_80#7 {strides = array<i32>} : memref<512xf32, #tpu.memory_space<vmem>>, vector<16xf32>,
      %swap3A_97 = arith.constant 128 : index
      %swap3A_98 = tpu.vector_load %arg8[%swap3A_97] {strides = array<i32>} : memref<512xf32, #tpu.memory_space<vmem>>, vector<16xf32>,
      tpu.vector_store %arg8[%swap3A_97], %scan3A_80#8 {strides = array<i32>} : memref<512xf32, #tpu.memory_space<vmem>>, vector<16xf32>,
      %swap3A_99 = arith.constant 144 : index
      %swap3A_100 = tpu.vector_load %arg8[%swap3A_99] {strides = array<i32>} : memref<512xf32, #tpu.memory_space<vmem>>, vector<16xf32>,
      tpu.vector_store %arg8[%swap3A_99], %scan3A_80#9 {strides = array<i32>} : memref<512xf32, #tpu.memory_space<vmem>>, vector<16xf32>,
      %swap3A_101 = arith.constant 160 : index
      %swap3A_102 = tpu.vector_load %arg8[%swap3A_101] {strides = array<i32>} : memref<512xf32, #tpu.memory_space<vmem>>, vector<16xf32>,
      tpu.vector_store %arg8[%swap3A_101], %scan3A_80#10 {strides = array<i32>} : memref<512xf32, #tpu.memory_space<vmem>>, vector<16xf32>,
      %swap3A_103 = arith.constant 176 : index
      %swap3A_104 = tpu.vector_load %arg8[%swap3A_103] {strides = array<i32>} : memref<512xf32, #tpu.memory_space<vmem>>, vector<16xf32>,
      tpu.vector_store %arg8[%swap3A_103], %scan3A_80#11 {strides = array<i32>} : memref<512xf32, #tpu.memory_space<vmem>>, vector<16xf32>,
      %swap3A_105 = arith.constant 192 : index
      %swap3A_106 = tpu.vector_load %arg8[%swap3A_105] {strides = array<i32>} : memref<512xf32, #tpu.memory_space<vmem>>, vector<16xf32>,
      tpu.vector_store %arg8[%swap3A_105], %scan3A_80#12 {strides = array<i32>} : memref<512xf32, #tpu.memory_space<vmem>>, vector<16xf32>,
      %swap3A_107 = arith.constant 208 : index
      %swap3A_108 = tpu.vector_load %arg8[%swap3A_107] {strides = array<i32>} : memref<512xf32, #tpu.memory_space<vmem>>, vector<16xf32>,
      tpu.vector_store %arg8[%swap3A_107], %scan3A_80#13 {strides = array<i32>} : memref<512xf32, #tpu.memory_space<vmem>>, vector<16xf32>,
      %swap3A_109 = arith.constant 224 : index
      %swap3A_110 = tpu.vector_load %arg8[%swap3A_109] {strides = array<i32>} : memref<512xf32, #tpu.memory_space<vmem>>, vector<16xf32>,
      tpu.vector_store %arg8[%swap3A_109], %scan3A_80#14 {strides = array<i32>} : memref<512xf32, #tpu.memory_space<vmem>>, vector<16xf32>,
      %swap3A_111 = arith.constant 240 : index
      %swap3A_112 = tpu.vector_load %arg8[%swap3A_111] {strides = array<i32>} : memref<512xf32, #tpu.memory_space<vmem>>, vector<16xf32>,
      tpu.vector_store %arg8[%swap3A_111], %scan3A_80#15 {strides = array<i32>} : memref<512xf32, #tpu.memory_space<vmem>>, vector<16xf32>,
      %swap3A_113 = arith.constant 256 : index
      %swap3A_114 = tpu.vector_load %arg8[%swap3A_113] {strides = array<i32>} : memref<512xf32, #tpu.memory_space<vmem>>, vector<16xf32>,
      tpu.vector_store %arg8[%swap3A_113], %scan3A_80#16 {strides = array<i32>} : memref<512xf32, #tpu.memory_space<vmem>>, vector<16xf32>,
      %swap3A_115 = arith.constant 272 : index
      %swap3A_116 = tpu.vector_load %arg8[%swap3A_115] {strides = array<i32>} : memref<512xf32, #tpu.memory_space<vmem>>, vector<16xf32>,
      tpu.vector_store %arg8[%swap3A_115], %scan3A_80#17 {strides = array<i32>} : memref<512xf32, #tpu.memory_space<vmem>>, vector<16xf32>,
      %swap3A_117 = arith.constant 288 : index
      %swap3A_118 = tpu.vector_load %arg8[%swap3A_117] {strides = array<i32>} : memref<512xf32, #tpu.memory_space<vmem>>, vector<16xf32>,
      tpu.vector_store %arg8[%swap3A_117], %scan3A_80#18 {strides = array<i32>} : memref<512xf32, #tpu.memory_space<vmem>>, vector<16xf32>,
      %swap3A_119 = arith.constant 304 : index
      %swap3A_120 = tpu.vector_load %arg8[%swap3A_119] {strides = array<i32>} : memref<512xf32, #tpu.memory_space<vmem>>, vector<16xf32>,
      tpu.vector_store %arg8[%swap3A_119], %scan3A_80#19 {strides = array<i32>} : memref<512xf32, #tpu.memory_space<vmem>>, vector<16xf32>,
      %swap3A_121 = arith.constant 320 : index
      %swap3A_122 = tpu.vector_load %arg8[%swap3A_121] {strides = array<i32>} : memref<512xf32, #tpu.memory_space<vmem>>, vector<16xf32>,
      tpu.vector_store %arg8[%swap3A_121], %scan3A_80#20 {strides = array<i32>} : memref<512xf32, #tpu.memory_space<vmem>>, vector<16xf32>,
      %swap3A_123 = arith.constant 336 : index
      %swap3A_124 = tpu.vector_load %arg8[%swap3A_123] {strides = array<i32>} : memref<512xf32, #tpu.memory_space<vmem>>, vector<16xf32>,
      tpu.vector_store %arg8[%swap3A_123], %scan3A_80#21 {strides = array<i32>} : memref<512xf32, #tpu.memory_space<vmem>>, vector<16xf32>,
      %swap3A_125 = arith.constant 352 : index
      %swap3A_126 = tpu.vector_load %arg8[%swap3A_125] {strides = array<i32>} : memref<512xf32, #tpu.memory_space<vmem>>, vector<16xf32>,
      tpu.vector_store %arg8[%swap3A_125], %scan3A_80#22 {strides = array<i32>} : memref<512xf32, #tpu.memory_space<vmem>>, vector<16xf32>,
      %swap3A_127 = arith.constant 368 : index
      %swap3A_128 = tpu.vector_load %arg8[%swap3A_127] {strides = array<i32>} : memref<512xf32, #tpu.memory_space<vmem>>, vector<16xf32>,
      tpu.vector_store %arg8[%swap3A_127], %scan3A_80#23 {strides = array<i32>} : memref<512xf32, #tpu.memory_space<vmem>>, vector<16xf32>,
      %swap3A_129 = arith.constant 384 : index
      %swap3A_130 = tpu.vector_load %arg8[%swap3A_129] {strides = array<i32>} : memref<512xf32, #tpu.memory_space<vmem>>, vector<16xf32>,
      tpu.vector_store %arg8[%swap3A_129], %scan3A_80#24 {strides = array<i32>} : memref<512xf32, #tpu.memory_space<vmem>>, vector<16xf32>,
      %swap3A_131 = arith.constant 400 : index
      %swap3A_132 = tpu.vector_load %arg8[%swap3A_131] {strides = array<i32>} : memref<512xf32, #tpu.memory_space<vmem>>, vector<16xf32>,
      tpu.vector_store %arg8[%swap3A_131], %scan3A_80#25 {strides = array<i32>} : memref<512xf32, #tpu.memory_space<vmem>>, vector<16xf32>,
      %swap3A_133 = arith.constant 416 : index
      %swap3A_134 = tpu.vector_load %arg8[%swap3A_133] {strides = array<i32>} : memref<512xf32, #tpu.memory_space<vmem>>, vector<16xf32>,
      tpu.vector_store %arg8[%swap3A_133], %scan3A_80#26 {strides = array<i32>} : memref<512xf32, #tpu.memory_space<vmem>>, vector<16xf32>,
      %swap3A_135 = arith.constant 432 : index
      %swap3A_136 = tpu.vector_load %arg8[%swap3A_135] {strides = array<i32>} : memref<512xf32, #tpu.memory_space<vmem>>, vector<16xf32>,
      tpu.vector_store %arg8[%swap3A_135], %scan3A_80#27 {strides = array<i32>} : memref<512xf32, #tpu.memory_space<vmem>>, vector<16xf32>,
      %swap3A_137 = arith.constant 448 : index
      %swap3A_138 = tpu.vector_load %arg8[%swap3A_137] {strides = array<i32>} : memref<512xf32, #tpu.memory_space<vmem>>, vector<16xf32>,
      tpu.vector_store %arg8[%swap3A_137], %scan3A_80#28 {strides = array<i32>} : memref<512xf32, #tpu.memory_space<vmem>>, vector<16xf32>,
      %swap3A_139 = arith.constant 464 : index
      %swap3A_140 = tpu.vector_load %arg8[%swap3A_139] {strides = array<i32>} : memref<512xf32, #tpu.memory_space<vmem>>, vector<16xf32>,
      tpu.vector_store %arg8[%swap3A_139], %scan3A_80#29 {strides = array<i32>} : memref<512xf32, #tpu.memory_space<vmem>>, vector<16xf32>,
      %swap3A_141 = arith.constant 480 : index
      %swap3A_142 = tpu.vector_load %arg8[%swap3A_141] {strides = array<i32>} : memref<512xf32, #tpu.memory_space<vmem>>, vector<16xf32>,
      tpu.vector_store %arg8[%swap3A_141], %scan3A_80#30 {strides = array<i32>} : memref<512xf32, #tpu.memory_space<vmem>>, vector<16xf32>,
      %swap3A_143 = arith.constant 496 : index
      %swap3A_144 = tpu.vector_load %arg8[%swap3A_143] {strides = array<i32>} : memref<512xf32, #tpu.memory_space<vmem>>, vector<16xf32>,
      tpu.vector_store %arg8[%swap3A_143], %scan3A_80#31 {strides = array<i32>} : memref<512xf32, #tpu.memory_space<vmem>>, vector<16xf32>,
      %mul3A_145 = arith.constant 16 : i32
      %mul3A_146 = vector.broadcast %mul3A_145 : i32 to vector<16xi32>
      %mul3A_147 = arith.muli %iota3A, %mul3A_146 : vector<16xi32>
      %add3A_148 = arith.constant 0 : i32
      %add3A_149 = vector.broadcast %add3A_148 : i32 to vector<16xi32>
      %add3A_150 = arith.addi %add3A_149, %mul3A_147 : vector<16xi32>
      %add3A_151 = arith.constant 0 : i32
      %add3A_152 = vector.broadcast %add3A_151 : i32 to vector<16xi32>
      %add3A_153 = arith.addi %add3A_152, %iota3A : vector<16xi32>
      %and3A = arith.constant 15 : i32
      %and3A_154 = vector.broadcast %and3A : i32 to vector<16xi32>
      %and3A_155 = arith.andi %add3A_153, %and3A_154 : vector<16xi32>
      %add3A_156 = arith.addi %add3A_150, %and3A_155 : vector<16xi32>
      %gather3A = tpu.vector_load_idx %arg8[%add3A_156] : memref<512xf32, #tpu.memory_space<vmem>>[vector<16xi32>], vector<16xf32>,
      %mul3A_157 = arith.constant 16 : i32
      %mul3A_158 = vector.broadcast %mul3A_157 : i32 to vector<16xi32>
      %mul3A_159 = arith.muli %iota3A, %mul3A_158 : vector<16xi32>
      %add3A_160 = arith.constant 0 : i32
      %add3A_161 = vector.broadcast %add3A_160 : i32 to vector<16xi32>
      %add3A_162 = arith.addi %add3A_161, %mul3A_159 : vector<16xi32>
      %add3A_163 = arith.constant 1 : i32
      %add3A_164 = vector.broadcast %add3A_163 : i32 to vector<16xi32>
      %add3A_165 = arith.addi %add3A_164, %iota3A : vector<16xi32>
      %and3A_166 = arith.constant 15 : i32
      %and3A_167 = vector.broadcast %and3A_166 : i32 to vector<16xi32>
      %and3A_168 = arith.andi %add3A_165, %and3A_167 : vector<16xi32>
      %add3A_169 = arith.addi %add3A_162, %and3A_168 : vector<16xi32>
      %gather3A_170 = tpu.vector_load_idx %arg8[%add3A_169] : memref<512xf32, #tpu.memory_space<vmem>>[vector<16xi32>], vector<16xf32>,
      %add3A_171 = arith.addf %gather3A, %gather3A_170 : vector<16xf32>
      %mul3A_172 = arith.constant 16 : i32
      %mul3A_173 = vector.broadcast %mul3A_172 : i32 to vector<16xi32>
      %mul3A_174 = arith.muli %iota3A, %mul3A_173 : vector<16xi32>
      %add3A_175 = arith.constant 0 : i32
      %add3A_176 = vector.broadcast %add3A_175 : i32 to vector<16xi32>
      %add3A_177 = arith.addi %add3A_176, %mul3A_174 : vector<16xi32>
      %add3A_178 = arith.constant 2 : i32
      %add3A_179 = vector.broadcast %add3A_178 : i32 to vector<16xi32>
      %add3A_180 = arith.addi %add3A_179, %iota3A : vector<16xi32>
      %and3A_181 = arith.constant 15 : i32
      %and3A_182 = vector.broadcast %and3A_181 : i32 to vector<16xi32>
      %and3A_183 = arith.andi %add3A_180, %and3A_182 : vector<16xi32>
      %add3A_184 = arith.addi %add3A_177, %and3A_183 : vector<16xi32>
      %gather3A_185 = tpu.vector_load_idx %arg8[%add3A_184] : memref<512xf32, #tpu.memory_space<vmem>>[vector<16xi32>], vector<16xf32>,
      %add3A_186 = arith.addf %add3A_171, %gather3A_185 : vector<16xf32>
      %mul3A_187 = arith.constant 16 : i32
      %mul3A_188 = vector.broadcast %mul3A_187 : i32 to vector<16xi32>
      %mul3A_189 = arith.muli %iota3A, %mul3A_188 : vector<16xi32>
      %add3A_190 = arith.constant 0 : i32
      %add3A_191 = vector.broadcast %add3A_190 : i32 to vector<16xi32>
      %add3A_192 = arith.addi %add3A_191, %mul3A_189 : vector<16xi32>
      %add3A_193 = arith.constant 3 : i32
      %add3A_194 = vector.broadcast %add3A_193 : i32 to vector<16xi32>
      %add3A_195 = arith.addi %add3A_194, %iota3A : vector<16xi32>
      %and3A_196 = arith.constant 15 : i32
      %and3A_197 = vector.broadcast %and3A_196 : i32 to vector<16xi32>
      %and3A_198 = arith.andi %add3A_195, %and3A_197 : vector<16xi32>
      %add3A_199 = arith.addi %add3A_192, %and3A_198 : vector<16xi32>
      %gather3A_200 = tpu.vector_load_idx %arg8[%add3A_199] : memref<512xf32, #tpu.memory_space<vmem>>[vector<16xi32>], vector<16xf32>,
      %add3A_201 = arith.addf %add3A_186, %gather3A_200 : vector<16xf32>
      %mul3A_202 = arith.constant 16 : i32
      %mul3A_203 = vector.broadcast %mul3A_202 : i32 to vector<16xi32>
      %mul3A_204 = arith.muli %iota3A, %mul3A_203 : vector<16xi32>
      %add3A_205 = arith.constant 0 : i32
      %add3A_206 = vector.broadcast %add3A_205 : i32 to vector<16xi32>
      %add3A_207 = arith.addi %add3A_206, %mul3A_204 : vector<16xi32>
      %add3A_208 = arith.constant 4 : i32
      %add3A_209 = vector.broadcast %add3A_208 : i32 to vector<16xi32>
      %add3A_210 = arith.addi %add3A_209, %iota3A : vector<16xi32>
      %and3A_211 = arith.constant 15 : i32
      %and3A_212 = vector.broadcast %and3A_211 : i32 to vector<16xi32>
      %and3A_213 = arith.andi %add3A_210, %and3A_212 : vector<16xi32>
      %add3A_214 = arith.addi %add3A_207, %and3A_213 : vector<16xi32>
      %gather3A_215 = tpu.vector_load_idx %arg8[%add3A_214] : memref<512xf32, #tpu.memory_space<vmem>>[vector<16xi32>], vector<16xf32>,
      %add3A_216 = arith.addf %add3A_201, %gather3A_215 : vector<16xf32>
      %mul3A_217 = arith.constant 16 : i32
      %mul3A_218 = vector.broadcast %mul3A_217 : i32 to vector<16xi32>
      %mul3A_219 = arith.muli %iota3A, %mul3A_218 : vector<16xi32>
      %add3A_220 = arith.constant 0 : i32
      %add3A_221 = vector.broadcast %add3A_220 : i32 to vector<16xi32>
      %add3A_222 = arith.addi %add3A_221, %mul3A_219 : vector<16xi32>
      %add3A_223 = arith.constant 5 : i32
      %add3A_224 = vector.broadcast %add3A_223 : i32 to vector<16xi32>
      %add3A_225 = arith.addi %add3A_224, %iota3A : vector<16xi32>
      %and3A_226 = arith.constant 15 : i32
      %and3A_227 = vector.broadcast %and3A_226 : i32 to vector<16xi32>
      %and3A_228 = arith.andi %add3A_225, %and3A_227 : vector<16xi32>
      %add3A_229 = arith.addi %add3A_222, %and3A_228 : vector<16xi32>
      %gather3A_230 = tpu.vector_load_idx %arg8[%add3A_229] : memref<512xf32, #tpu.memory_space<vmem>>[vector<16xi32>], vector<16xf32>,
      %add3A_231 = arith.addf %add3A_216, %gather3A_230 : vector<16xf32>
      %mul3A_232 = arith.constant 16 : i32
      %mul3A_233 = vector.broadcast %mul3A_232 : i32 to vector<16xi32>
      %mul3A_234 = arith.muli %iota3A, %mul3A_233 : vector<16xi32>
      %add3A_235 = arith.constant 0 : i32
      %add3A_236 = vector.broadcast %add3A_235 : i32 to vector<16xi32>
      %add3A_237 = arith.addi %add3A_236, %mul3A_234 : vector<16xi32>
      %add3A_238 = arith.constant 6 : i32
      %add3A_239 = vector.broadcast %add3A_238 : i32 to vector<16xi32>
      %add3A_240 = arith.addi %add3A_239, %iota3A : vector<16xi32>
      %and3A_241 = arith.constant 15 : i32
      %and3A_242 = vector.broadcast %and3A_241 : i32 to vector<16xi32>
      %and3A_243 = arith.andi %add3A_240, %and3A_242 : vector<16xi32>
      %add3A_244 = arith.addi %add3A_237, %and3A_243 : vector<16xi32>
      %gather3A_245 = tpu.vector_load_idx %arg8[%add3A_244] : memref<512xf32, #tpu.memory_space<vmem>>[vector<16xi32>], vector<16xf32>,
      %add3A_246 = arith.addf %add3A_231, %gather3A_245 : vector<16xf32>
      %mul3A_247 = arith.constant 16 : i32
      %mul3A_248 = vector.broadcast %mul3A_247 : i32 to vector<16xi32>
      %mul3A_249 = arith.muli %iota3A, %mul3A_248 : vector<16xi32>
      %add3A_250 = arith.constant 0 : i32
      %add3A_251 = vector.broadcast %add3A_250 : i32 to vector<16xi32>
      %add3A_252 = arith.addi %add3A_251, %mul3A_249 : vector<16xi32>
      %add3A_253 = arith.constant 7 : i32
      %add3A_254 = vector.broadcast %add3A_253 : i32 to vector<16xi32>
      %add3A_255 = arith.addi %add3A_254, %iota3A : vector<16xi32>
      %and3A_256 = arith.constant 15 : i32
      %and3A_257 = vector.broadcast %and3A_256 : i32 to vector<16xi32>
      %and3A_258 = arith.andi %add3A_255, %and3A_257 : vector<16xi32>
      %add3A_259 = arith.addi %add3A_252, %and3A_258 : vector<16xi32>
      %gather3A_260 = tpu.vector_load_idx %arg8[%add3A_259] : memref<512xf32, #tpu.memory_space<vmem>>[vector<16xi32>], vector<16xf32>,
      %add3A_261 = arith.addf %add3A_246, %gather3A_260 : vector<16xf32>
      %mul3A_262 = arith.constant 16 : i32
      %mul3A_263 = vector.broadcast %mul3A_262 : i32 to vector<16xi32>
      %mul3A_264 = arith.muli %iota3A, %mul3A_263 : vector<16xi32>
      %add3A_265 = arith.constant 0 : i32
      %add3A_266 = vector.broadcast %add3A_265 : i32 to vector<16xi32>
      %add3A_267 = arith.addi %add3A_266, %mul3A_264 : vector<16xi32>
      %add3A_268 = arith.constant 8 : i32
      %add3A_269 = vector.broadcast %add3A_268 : i32 to vector<16xi32>
      %add3A_270 = arith.addi %add3A_269, %iota3A : vector<16xi32>
      %and3A_271 = arith.constant 15 : i32
      %and3A_272 = vector.broadcast %and3A_271 : i32 to vector<16xi32>
      %and3A_273 = arith.andi %add3A_270, %and3A_272 : vector<16xi32>
      %add3A_274 = arith.addi %add3A_267, %and3A_273 : vector<16xi32>
      %gather3A_275 = tpu.vector_load_idx %arg8[%add3A_274] : memref<512xf32, #tpu.memory_space<vmem>>[vector<16xi32>], vector<16xf32>,
      %add3A_276 = arith.addf %add3A_261, %gather3A_275 : vector<16xf32>
      %mul3A_277 = arith.constant 16 : i32
      %mul3A_278 = vector.broadcast %mul3A_277 : i32 to vector<16xi32>
      %mul3A_279 = arith.muli %iota3A, %mul3A_278 : vector<16xi32>
      %add3A_280 = arith.constant 0 : i32
      %add3A_281 = vector.broadcast %add3A_280 : i32 to vector<16xi32>
      %add3A_282 = arith.addi %add3A_281, %mul3A_279 : vector<16xi32>
      %add3A_283 = arith.constant 9 : i32
      %add3A_284 = vector.broadcast %add3A_283 : i32 to vector<16xi32>
      %add3A_285 = arith.addi %add3A_284, %iota3A : vector<16xi32>
      %and3A_286 = arith.constant 15 : i32
      %and3A_287 = vector.broadcast %and3A_286 : i32 to vector<16xi32>
      %and3A_288 = arith.andi %add3A_285, %and3A_287 : vector<16xi32>
      %add3A_289 = arith.addi %add3A_282, %and3A_288 : vector<16xi32>
      %gather3A_290 = tpu.vector_load_idx %arg8[%add3A_289] : memref<512xf32, #tpu.memory_space<vmem>>[vector<16xi32>], vector<16xf32>,
      %add3A_291 = arith.addf %add3A_276, %gather3A_290 : vector<16xf32>
      %mul3A_292 = arith.constant 16 : i32
      %mul3A_293 = vector.broadcast %mul3A_292 : i32 to vector<16xi32>
      %mul3A_294 = arith.muli %iota3A, %mul3A_293 : vector<16xi32>
      %add3A_295 = arith.constant 0 : i32
      %add3A_296 = vector.broadcast %add3A_295 : i32 to vector<16xi32>
      %add3A_297 = arith.addi %add3A_296, %mul3A_294 : vector<16xi32>
      %add3A_298 = arith.constant 10 : i32
      %add3A_299 = vector.broadcast %add3A_298 : i32 to vector<16xi32>
      %add3A_300 = arith.addi %add3A_299, %iota3A : vector<16xi32>
      %and3A_301 = arith.constant 15 : i32
      %and3A_302 = vector.broadcast %and3A_301 : i32 to vector<16xi32>
      %and3A_303 = arith.andi %add3A_300, %and3A_302 : vector<16xi32>
      %add3A_304 = arith.addi %add3A_297, %and3A_303 : vector<16xi32>
      %gather3A_305 = tpu.vector_load_idx %arg8[%add3A_304] : memref<512xf32, #tpu.memory_space<vmem>>[vector<16xi32>], vector<16xf32>,
      %add3A_306 = arith.addf %add3A_291, %gather3A_305 : vector<16xf32>
      %mul3A_307 = arith.constant 16 : i32
      %mul3A_308 = vector.broadcast %mul3A_307 : i32 to vector<16xi32>
      %mul3A_309 = arith.muli %iota3A, %mul3A_308 : vector<16xi32>
      %add3A_310 = arith.constant 0 : i32
      %add3A_311 = vector.broadcast %add3A_310 : i32 to vector<16xi32>
      %add3A_312 = arith.addi %add3A_311, %mul3A_309 : vector<16xi32>
      %add3A_313 = arith.constant 11 : i32
      %add3A_314 = vector.broadcast %add3A_313 : i32 to vector<16xi32>
      %add3A_315 = arith.addi %add3A_314, %iota3A : vector<16xi32>
      %and3A_316 = arith.constant 15 : i32
      %and3A_317 = vector.broadcast %and3A_316 : i32 to vector<16xi32>
      %and3A_318 = arith.andi %add3A_315, %and3A_317 : vector<16xi32>
      %add3A_319 = arith.addi %add3A_312, %and3A_318 : vector<16xi32>
      %gather3A_320 = tpu.vector_load_idx %arg8[%add3A_319] : memref<512xf32, #tpu.memory_space<vmem>>[vector<16xi32>], vector<16xf32>,
      %add3A_321 = arith.addf %add3A_306, %gather3A_320 : vector<16xf32>
      %mul3A_322 = arith.constant 16 : i32
      %mul3A_323 = vector.broadcast %mul3A_322 : i32 to vector<16xi32>
      %mul3A_324 = arith.muli %iota3A, %mul3A_323 : vector<16xi32>
      %add3A_325 = arith.constant 0 : i32
      %add3A_326 = vector.broadcast %add3A_325 : i32 to vector<16xi32>
      %add3A_327 = arith.addi %add3A_326, %mul3A_324 : vector<16xi32>
      %add3A_328 = arith.constant 12 : i32
      %add3A_329 = vector.broadcast %add3A_328 : i32 to vector<16xi32>
      %add3A_330 = arith.addi %add3A_329, %iota3A : vector<16xi32>
      %and3A_331 = arith.constant 15 : i32
      %and3A_332 = vector.broadcast %and3A_331 : i32 to vector<16xi32>
      %and3A_333 = arith.andi %add3A_330, %and3A_332 : vector<16xi32>
      %add3A_334 = arith.addi %add3A_327, %and3A_333 : vector<16xi32>
      %gather3A_335 = tpu.vector_load_idx %arg8[%add3A_334] : memref<512xf32, #tpu.memory_space<vmem>>[vector<16xi32>], vector<16xf32>,
      %add3A_336 = arith.addf %add3A_321, %gather3A_335 : vector<16xf32>
      %mul3A_337 = arith.constant 16 : i32
      %mul3A_338 = vector.broadcast %mul3A_337 : i32 to vector<16xi32>
      %mul3A_339 = arith.muli %iota3A, %mul3A_338 : vector<16xi32>
      %add3A_340 = arith.constant 0 : i32
      %add3A_341 = vector.broadcast %add3A_340 : i32 to vector<16xi32>
      %add3A_342 = arith.addi %add3A_341, %mul3A_339 : vector<16xi32>
      %add3A_343 = arith.constant 13 : i32
      %add3A_344 = vector.broadcast %add3A_343 : i32 to vector<16xi32>
      %add3A_345 = arith.addi %add3A_344, %iota3A : vector<16xi32>
      %and3A_346 = arith.constant 15 : i32
      %and3A_347 = vector.broadcast %and3A_346 : i32 to vector<16xi32>
      %and3A_348 = arith.andi %add3A_345, %and3A_347 : vector<16xi32>
      %add3A_349 = arith.addi %add3A_342, %and3A_348 : vector<16xi32>
      %gather3A_350 = tpu.vector_load_idx %arg8[%add3A_349] : memref<512xf32, #tpu.memory_space<vmem>>[vector<16xi32>], vector<16xf32>,
      %add3A_351 = arith.addf %add3A_336, %gather3A_350 : vector<16xf32>
      %mul3A_352 = arith.constant 16 : i32
      %mul3A_353 = vector.broadcast %mul3A_352 : i32 to vector<16xi32>
      %mul3A_354 = arith.muli %iota3A, %mul3A_353 : vector<16xi32>
      %add3A_355 = arith.constant 0 : i32
      %add3A_356 = vector.broadcast %add3A_355 : i32 to vector<16xi32>
      %add3A_357 = arith.addi %add3A_356, %mul3A_354 : vector<16xi32>
      %add3A_358 = arith.constant 14 : i32
      %add3A_359 = vector.broadcast %add3A_358 : i32 to vector<16xi32>
      %add3A_360 = arith.addi %add3A_359, %iota3A : vector<16xi32>
      %and3A_361 = arith.constant 15 : i32
      %and3A_362 = vector.broadcast %and3A_361 : i32 to vector<16xi32>
      %and3A_363 = arith.andi %add3A_360, %and3A_362 : vector<16xi32>
      %add3A_364 = arith.addi %add3A_357, %and3A_363 : vector<16xi32>
      %gather3A_365 = tpu.vector_load_idx %arg8[%add3A_364] : memref<512xf32, #tpu.memory_space<vmem>>[vector<16xi32>], vector<16xf32>,
      %add3A_366 = arith.addf %add3A_351, %gather3A_365 : vector<16xf32>
      %mul3A_367 = arith.constant 16 : i32
      %mul3A_368 = vector.broadcast %mul3A_367 : i32 to vector<16xi32>
      %mul3A_369 = arith.muli %iota3A, %mul3A_368 : vector<16xi32>
      %add3A_370 = arith.constant 0 : i32
      %add3A_371 = vector.broadcast %add3A_370 : i32 to vector<16xi32>
      %add3A_372 = arith.addi %add3A_371, %mul3A_369 : vector<16xi32>
      %add3A_373 = arith.constant 15 : i32
      %add3A_374 = vector.broadcast %add3A_373 : i32 to vector<16xi32>
      %add3A_375 = arith.addi %add3A_374, %iota3A : vector<16xi32>
      %and3A_376 = arith.constant 15 : i32
      %and3A_377 = vector.broadcast %and3A_376 : i32 to vector<16xi32>
      %and3A_378 = arith.andi %add3A_375, %and3A_377 : vector<16xi32>
      %add3A_379 = arith.addi %add3A_372, %and3A_378 : vector<16xi32>
      %gather3A_380 = tpu.vector_load_idx %arg8[%add3A_379] : memref<512xf32, #tpu.memory_space<vmem>>[vector<16xi32>], vector<16xf32>,
      %add3A_381 = arith.addf %add3A_366, %gather3A_380 : vector<16xf32>
      %mul3A_382 = arith.constant 4 : i32
      %mul3A_383 = arith.muli %scan3A_73, %mul3A_382 : i32
      %mul3A_384 = arith.constant 8 : i32
      %mul3A_385 = arith.muli %mul3A_383, %mul3A_384 : i32
      %add3A_386 = arith.constant 0 : i32
      %add3A_387 = arith.addi %mul3A_385, %add3A_386 : i32
      %multiple_of3A = tpu.assume_multiple %add3A_387, 16 : i32
      %swap3A_388 = arith.constant 0 : i32
      %swap3A_389 = tpu.memref_slice %arg7[%scan3A_33, %swap3A_388] : memref<2x512xf32, #tpu.memory_space<vmem>> -> memref<1x512xf32, #tpu.memory_space<vmem>>
      %swap3A_390 = tpu.memref_squeeze %swap3A_389 : memref<1x512xf32, #tpu.memory_space<vmem>> -> memref<512xf32, #tpu.memory_space<vmem>>
      %swap3A_391 = arith.index_cast %multiple_of3A : i32 to index
      %swap3A_392 = tpu.vector_load %swap3A_390[%swap3A_391] {strides = array<i32>} : memref<512xf32, #tpu.memory_space<vmem>>, vector<16xf32>,
      tpu.vector_store %swap3A_390[%swap3A_391], %add3A_381 {strides = array<i32>} : memref<512xf32, #tpu.memory_space<vmem>>, vector<16xf32>,
      %mul3A_393 = arith.constant 16 : i32
      %mul3A_394 = vector.broadcast %mul3A_393 : i32 to vector<16xi32>
      %mul3A_395 = arith.muli %iota3A, %mul3A_394 : vector<16xi32>
      %add3A_396 = arith.constant 256 : i32
      %add3A_397 = vector.broadcast %add3A_396 : i32 to vector<16xi32>
      %add3A_398 = arith.addi %add3A_397, %mul3A_395 : vector<16xi32>
      %add3A_399 = arith.constant 0 : i32
      %add3A_400 = vector.broadcast %add3A_399 : i32 to vector<16xi32>
      %add3A_401 = arith.addi %add3A_400, %iota3A : vector<16xi32>
      %and3A_402 = arith.constant 15 : i32
      %and3A_403 = vector.broadcast %and3A_402 : i32 to vector<16xi32>
      %and3A_404 = arith.andi %add3A_401, %and3A_403 : vector<16xi32>
      %add3A_405 = arith.addi %add3A_398, %and3A_404 : vector<16xi32>
      %gather3A_406 = tpu.vector_load_idx %arg8[%add3A_405] : memref<512xf32, #tpu.memory_space<vmem>>[vector<16xi32>], vector<16xf32>,
      %mul3A_407 = arith.constant 16 : i32
      %mul3A_408 = vector.broadcast %mul3A_407 : i32 to vector<16xi32>
      %mul3A_409 = arith.muli %iota3A, %mul3A_408 : vector<16xi32>
      %add3A_410 = arith.constant 256 : i32
      %add3A_411 = vector.broadcast %add3A_410 : i32 to vector<16xi32>
      %add3A_412 = arith.addi %add3A_411, %mul3A_409 : vector<16xi32>
      %add3A_413 = arith.constant 1 : i32
      %add3A_414 = vector.broadcast %add3A_413 : i32 to vector<16xi32>
      %add3A_415 = arith.addi %add3A_414, %iota3A : vector<16xi32>
      %and3A_416 = arith.constant 15 : i32
      %and3A_417 = vector.broadcast %and3A_416 : i32 to vector<16xi32>
      %and3A_418 = arith.andi %add3A_415, %and3A_417 : vector<16xi32>
      %add3A_419 = arith.addi %add3A_412, %and3A_418 : vector<16xi32>
      %gather3A_420 = tpu.vector_load_idx %arg8[%add3A_419] : memref<512xf32, #tpu.memory_space<vmem>>[vector<16xi32>], vector<16xf32>,
      %add3A_421 = arith.addf %gather3A_406, %gather3A_420 : vector<16xf32>
      %mul3A_422 = arith.constant 16 : i32
      %mul3A_423 = vector.broadcast %mul3A_422 : i32 to vector<16xi32>
      %mul3A_424 = arith.muli %iota3A, %mul3A_423 : vector<16xi32>
      %add3A_425 = arith.constant 256 : i32
      %add3A_426 = vector.broadcast %add3A_425 : i32 to vector<16xi32>
      %add3A_427 = arith.addi %add3A_426, %mul3A_424 : vector<16xi32>
      %add3A_428 = arith.constant 2 : i32
      %add3A_429 = vector.broadcast %add3A_428 : i32 to vector<16xi32>
      %add3A_430 = arith.addi %add3A_429, %iota3A : vector<16xi32>
      %and3A_431 = arith.constant 15 : i32
      %and3A_432 = vector.broadcast %and3A_431 : i32 to vector<16xi32>
      %and3A_433 = arith.andi %add3A_430, %and3A_432 : vector<16xi32>
      %add3A_434 = arith.addi %add3A_427, %and3A_433 : vector<16xi32>
      %gather3A_435 = tpu.vector_load_idx %arg8[%add3A_434] : memref<512xf32, #tpu.memory_space<vmem>>[vector<16xi32>], vector<16xf32>,
      %add3A_436 = arith.addf %add3A_421, %gather3A_435 : vector<16xf32>
      %mul3A_437 = arith.constant 16 : i32
      %mul3A_438 = vector.broadcast %mul3A_437 : i32 to vector<16xi32>
      %mul3A_439 = arith.muli %iota3A, %mul3A_438 : vector<16xi32>
      %add3A_440 = arith.constant 256 : i32
      %add3A_441 = vector.broadcast %add3A_440 : i32 to vector<16xi32>
      %add3A_442 = arith.addi %add3A_441, %mul3A_439 : vector<16xi32>
      %add3A_443 = arith.constant 3 : i32
      %add3A_444 = vector.broadcast %add3A_443 : i32 to vector<16xi32>
      %add3A_445 = arith.addi %add3A_444, %iota3A : vector<16xi32>
      %and3A_446 = arith.constant 15 : i32
      %and3A_447 = vector.broadcast %and3A_446 : i32 to vector<16xi32>
      %and3A_448 = arith.andi %add3A_445, %and3A_447 : vector<16xi32>
      %add3A_449 = arith.addi %add3A_442, %and3A_448 : vector<16xi32>
      %gather3A_450 = tpu.vector_load_idx %arg8[%add3A_449] : memref<512xf32, #tpu.memory_space<vmem>>[vector<16xi32>], vector<16xf32>,
      %add3A_451 = arith.addf %add3A_436, %gather3A_450 : vector<16xf32>
      %mul3A_452 = arith.constant 16 : i32
      %mul3A_453 = vector.broadcast %mul3A_452 : i32 to vector<16xi32>
      %mul3A_454 = arith.muli %iota3A, %mul3A_453 : vector<16xi32>
      %add3A_455 = arith.constant 256 : i32
      %add3A_456 = vector.broadcast %add3A_455 : i32 to vector<16xi32>
      %add3A_457 = arith.addi %add3A_456, %mul3A_454 : vector<16xi32>
      %add3A_458 = arith.constant 4 : i32
      %add3A_459 = vector.broadcast %add3A_458 : i32 to vector<16xi32>
      %add3A_460 = arith.addi %add3A_459, %iota3A : vector<16xi32>
      %and3A_461 = arith.constant 15 : i32
      %and3A_462 = vector.broadcast %and3A_461 : i32 to vector<16xi32>
      %and3A_463 = arith.andi %add3A_460, %and3A_462 : vector<16xi32>
      %add3A_464 = arith.addi %add3A_457, %and3A_463 : vector<16xi32>
      %gather3A_465 = tpu.vector_load_idx %arg8[%add3A_464] : memref<512xf32, #tpu.memory_space<vmem>>[vector<16xi32>], vector<16xf32>,
      %add3A_466 = arith.addf %add3A_451, %gather3A_465 : vector<16xf32>
      %mul3A_467 = arith.constant 16 : i32
      %mul3A_468 = vector.broadcast %mul3A_467 : i32 to vector<16xi32>
      %mul3A_469 = arith.muli %iota3A, %mul3A_468 : vector<16xi32>
      %add3A_470 = arith.constant 256 : i32
      %add3A_471 = vector.broadcast %add3A_470 : i32 to vector<16xi32>
      %add3A_472 = arith.addi %add3A_471, %mul3A_469 : vector<16xi32>
      %add3A_473 = arith.constant 5 : i32
      %add3A_474 = vector.broadcast %add3A_473 : i32 to vector<16xi32>
      %add3A_475 = arith.addi %add3A_474, %iota3A : vector<16xi32>
      %and3A_476 = arith.constant 15 : i32
      %and3A_477 = vector.broadcast %and3A_476 : i32 to vector<16xi32>
      %and3A_478 = arith.andi %add3A_475, %and3A_477 : vector<16xi32>
      %add3A_479 = arith.addi %add3A_472, %and3A_478 : vector<16xi32>
      %gather3A_480 = tpu.vector_load_idx %arg8[%add3A_479] : memref<512xf32, #tpu.memory_space<vmem>>[vector<16xi32>], vector<16xf32>,
      %add3A_481 = arith.addf %add3A_466, %gather3A_480 : vector<16xf32>
      %mul3A_482 = arith.constant 16 : i32
      %mul3A_483 = vector.broadcast %mul3A_482 : i32 to vector<16xi32>
      %mul3A_484 = arith.muli %iota3A, %mul3A_483 : vector<16xi32>
      %add3A_485 = arith.constant 256 : i32
      %add3A_486 = vector.broadcast %add3A_485 : i32 to vector<16xi32>
      %add3A_487 = arith.addi %add3A_486, %mul3A_484 : vector<16xi32>
      %add3A_488 = arith.constant 6 : i32
      %add3A_489 = vector.broadcast %add3A_488 : i32 to vector<16xi32>
      %add3A_490 = arith.addi %add3A_489, %iota3A : vector<16xi32>
      %and3A_491 = arith.constant 15 : i32
      %and3A_492 = vector.broadcast %and3A_491 : i32 to vector<16xi32>
      %and3A_493 = arith.andi %add3A_490, %and3A_492 : vector<16xi32>
      %add3A_494 = arith.addi %add3A_487, %and3A_493 : vector<16xi32>
      %gather3A_495 = tpu.vector_load_idx %arg8[%add3A_494] : memref<512xf32, #tpu.memory_space<vmem>>[vector<16xi32>], vector<16xf32>,
      %add3A_496 = arith.addf %add3A_481, %gather3A_495 : vector<16xf32>
      %mul3A_497 = arith.constant 16 : i32
      %mul3A_498 = vector.broadcast %mul3A_497 : i32 to vector<16xi32>
      %mul3A_499 = arith.muli %iota3A, %mul3A_498 : vector<16xi32>
      %add3A_500 = arith.constant 256 : i32
      %add3A_501 = vector.broadcast %add3A_500 : i32 to vector<16xi32>
      %add3A_502 = arith.addi %add3A_501, %mul3A_499 : vector<16xi32>
      %add3A_503 = arith.constant 7 : i32
      %add3A_504 = vector.broadcast %add3A_503 : i32 to vector<16xi32>
      %add3A_505 = arith.addi %add3A_504, %iota3A : vector<16xi32>
      %and3A_506 = arith.constant 15 : i32
      %and3A_507 = vector.broadcast %and3A_506 : i32 to vector<16xi32>
      %and3A_508 = arith.andi %add3A_505, %and3A_507 : vector<16xi32>
      %add3A_509 = arith.addi %add3A_502, %and3A_508 : vector<16xi32>
      %gather3A_510 = tpu.vector_load_idx %arg8[%add3A_509] : memref<512xf32, #tpu.memory_space<vmem>>[vector<16xi32>], vector<16xf32>,
      %add3A_511 = arith.addf %add3A_496, %gather3A_510 : vector<16xf32>
      %mul3A_512 = arith.constant 16 : i32
      %mul3A_513 = vector.broadcast %mul3A_512 : i32 to vector<16xi32>
      %mul3A_514 = arith.muli %iota3A, %mul3A_513 : vector<16xi32>
      %add3A_515 = arith.constant 256 : i32
      %add3A_516 = vector.broadcast %add3A_515 : i32 to vector<16xi32>
      %add3A_517 = arith.addi %add3A_516, %mul3A_514 : vector<16xi32>
      %add3A_518 = arith.constant 8 : i32
      %add3A_519 = vector.broadcast %add3A_518 : i32 to vector<16xi32>
      %add3A_520 = arith.addi %add3A_519, %iota3A : vector<16xi32>
      %and3A_521 = arith.constant 15 : i32
      %and3A_522 = vector.broadcast %and3A_521 : i32 to vector<16xi32>
      %and3A_523 = arith.andi %add3A_520, %and3A_522 : vector<16xi32>
      %add3A_524 = arith.addi %add3A_517, %and3A_523 : vector<16xi32>
      %gather3A_525 = tpu.vector_load_idx %arg8[%add3A_524] : memref<512xf32, #tpu.memory_space<vmem>>[vector<16xi32>], vector<16xf32>,
      %add3A_526 = arith.addf %add3A_511, %gather3A_525 : vector<16xf32>
      %mul3A_527 = arith.constant 16 : i32
      %mul3A_528 = vector.broadcast %mul3A_527 : i32 to vector<16xi32>
      %mul3A_529 = arith.muli %iota3A, %mul3A_528 : vector<16xi32>
      %add3A_530 = arith.constant 256 : i32
      %add3A_531 = vector.broadcast %add3A_530 : i32 to vector<16xi32>
      %add3A_532 = arith.addi %add3A_531, %mul3A_529 : vector<16xi32>
      %add3A_533 = arith.constant 9 : i32
      %add3A_534 = vector.broadcast %add3A_533 : i32 to vector<16xi32>
      %add3A_535 = arith.addi %add3A_534, %iota3A : vector<16xi32>
      %and3A_536 = arith.constant 15 : i32
      %and3A_537 = vector.broadcast %and3A_536 : i32 to vector<16xi32>
      %and3A_538 = arith.andi %add3A_535, %and3A_537 : vector<16xi32>
      %add3A_539 = arith.addi %add3A_532, %and3A_538 : vector<16xi32>
      %gather3A_540 = tpu.vector_load_idx %arg8[%add3A_539] : memref<512xf32, #tpu.memory_space<vmem>>[vector<16xi32>], vector<16xf32>,
      %add3A_541 = arith.addf %add3A_526, %gather3A_540 : vector<16xf32>
      %mul3A_542 = arith.constant 16 : i32
      %mul3A_543 = vector.broadcast %mul3A_542 : i32 to vector<16xi32>
      %mul3A_544 = arith.muli %iota3A, %mul3A_543 : vector<16xi32>
      %add3A_545 = arith.constant 256 : i32
      %add3A_546 = vector.broadcast %add3A_545 : i32 to vector<16xi32>
      %add3A_547 = arith.addi %add3A_546, %mul3A_544 : vector<16xi32>
      %add3A_548 = arith.constant 10 : i32
      %add3A_549 = vector.broadcast %add3A_548 : i32 to vector<16xi32>
      %add3A_550 = arith.addi %add3A_549, %iota3A : vector<16xi32>
      %and3A_551 = arith.constant 15 : i32
      %and3A_552 = vector.broadcast %and3A_551 : i32 to vector<16xi32>
      %and3A_553 = arith.andi %add3A_550, %and3A_552 : vector<16xi32>
      %add3A_554 = arith.addi %add3A_547, %and3A_553 : vector<16xi32>
      %gather3A_555 = tpu.vector_load_idx %arg8[%add3A_554] : memref<512xf32, #tpu.memory_space<vmem>>[vector<16xi32>], vector<16xf32>,
      %add3A_556 = arith.addf %add3A_541, %gather3A_555 : vector<16xf32>
      %mul3A_557 = arith.constant 16 : i32
      %mul3A_558 = vector.broadcast %mul3A_557 : i32 to vector<16xi32>
      %mul3A_559 = arith.muli %iota3A, %mul3A_558 : vector<16xi32>
      %add3A_560 = arith.constant 256 : i32
      %add3A_561 = vector.broadcast %add3A_560 : i32 to vector<16xi32>
      %add3A_562 = arith.addi %add3A_561, %mul3A_559 : vector<16xi32>
      %add3A_563 = arith.constant 11 : i32
      %add3A_564 = vector.broadcast %add3A_563 : i32 to vector<16xi32>
      %add3A_565 = arith.addi %add3A_564, %iota3A : vector<16xi32>
      %and3A_566 = arith.constant 15 : i32
      %and3A_567 = vector.broadcast %and3A_566 : i32 to vector<16xi32>
      %and3A_568 = arith.andi %add3A_565, %and3A_567 : vector<16xi32>
      %add3A_569 = arith.addi %add3A_562, %and3A_568 : vector<16xi32>
      %gather3A_570 = tpu.vector_load_idx %arg8[%add3A_569] : memref<512xf32, #tpu.memory_space<vmem>>[vector<16xi32>], vector<16xf32>,
      %add3A_571 = arith.addf %add3A_556, %gather3A_570 : vector<16xf32>
      %mul3A_572 = arith.constant 16 : i32
      %mul3A_573 = vector.broadcast %mul3A_572 : i32 to vector<16xi32>
      %mul3A_574 = arith.muli %iota3A, %mul3A_573 : vector<16xi32>
      %add3A_575 = arith.constant 256 : i32
      %add3A_576 = vector.broadcast %add3A_575 : i32 to vector<16xi32>
      %add3A_577 = arith.addi %add3A_576, %mul3A_574 : vector<16xi32>
      %add3A_578 = arith.constant 12 : i32
      %add3A_579 = vector.broadcast %add3A_578 : i32 to vector<16xi32>
      %add3A_580 = arith.addi %add3A_579, %iota3A : vector<16xi32>
      %and3A_581 = arith.constant 15 : i32
      %and3A_582 = vector.broadcast %and3A_581 : i32 to vector<16xi32>
      %and3A_583 = arith.andi %add3A_580, %and3A_582 : vector<16xi32>
      %add3A_584 = arith.addi %add3A_577, %and3A_583 : vector<16xi32>
      %gather3A_585 = tpu.vector_load_idx %arg8[%add3A_584] : memref<512xf32, #tpu.memory_space<vmem>>[vector<16xi32>], vector<16xf32>,
      %add3A_586 = arith.addf %add3A_571, %gather3A_585 : vector<16xf32>
      %mul3A_587 = arith.constant 16 : i32
      %mul3A_588 = vector.broadcast %mul3A_587 : i32 to vector<16xi32>
      %mul3A_589 = arith.muli %iota3A, %mul3A_588 : vector<16xi32>
      %add3A_590 = arith.constant 256 : i32
      %add3A_591 = vector.broadcast %add3A_590 : i32 to vector<16xi32>
      %add3A_592 = arith.addi %add3A_591, %mul3A_589 : vector<16xi32>
      %add3A_593 = arith.constant 13 : i32
      %add3A_594 = vector.broadcast %add3A_593 : i32 to vector<16xi32>
      %add3A_595 = arith.addi %add3A_594, %iota3A : vector<16xi32>
      %and3A_596 = arith.constant 15 : i32
      %and3A_597 = vector.broadcast %and3A_596 : i32 to vector<16xi32>
      %and3A_598 = arith.andi %add3A_595, %and3A_597 : vector<16xi32>
      %add3A_599 = arith.addi %add3A_592, %and3A_598 : vector<16xi32>
      %gather3A_600 = tpu.vector_load_idx %arg8[%add3A_599] : memref<512xf32, #tpu.memory_space<vmem>>[vector<16xi32>], vector<16xf32>,
      %add3A_601 = arith.addf %add3A_586, %gather3A_600 : vector<16xf32>
      %mul3A_602 = arith.constant 16 : i32
      %mul3A_603 = vector.broadcast %mul3A_602 : i32 to vector<16xi32>
      %mul3A_604 = arith.muli %iota3A, %mul3A_603 : vector<16xi32>
      %add3A_605 = arith.constant 256 : i32
      %add3A_606 = vector.broadcast %add3A_605 : i32 to vector<16xi32>
      %add3A_607 = arith.addi %add3A_606, %mul3A_604 : vector<16xi32>
      %add3A_608 = arith.constant 14 : i32
      %add3A_609 = vector.broadcast %add3A_608 : i32 to vector<16xi32>
      %add3A_610 = arith.addi %add3A_609, %iota3A : vector<16xi32>
      %and3A_611 = arith.constant 15 : i32
      %and3A_612 = vector.broadcast %and3A_611 : i32 to vector<16xi32>
      %and3A_613 = arith.andi %add3A_610, %and3A_612 : vector<16xi32>
      %add3A_614 = arith.addi %add3A_607, %and3A_613 : vector<16xi32>
      %gather3A_615 = tpu.vector_load_idx %arg8[%add3A_614] : memref<512xf32, #tpu.memory_space<vmem>>[vector<16xi32>], vector<16xf32>,
      %add3A_616 = arith.addf %add3A_601, %gather3A_615 : vector<16xf32>
      %mul3A_617 = arith.constant 16 : i32
      %mul3A_618 = vector.broadcast %mul3A_617 : i32 to vector<16xi32>
      %mul3A_619 = arith.muli %iota3A, %mul3A_618 : vector<16xi32>
      %add3A_620 = arith.constant 256 : i32
      %add3A_621 = vector.broadcast %add3A_620 : i32 to vector<16xi32>
      %add3A_622 = arith.addi %add3A_621, %mul3A_619 : vector<16xi32>
      %add3A_623 = arith.constant 15 : i32
      %add3A_624 = vector.broadcast %add3A_623 : i32 to vector<16xi32>
      %add3A_625 = arith.addi %add3A_624, %iota3A : vector<16xi32>
      %and3A_626 = arith.constant 15 : i32
      %and3A_627 = vector.broadcast %and3A_626 : i32 to vector<16xi32>
      %and3A_628 = arith.andi %add3A_625, %and3A_627 : vector<16xi32>
      %add3A_629 = arith.addi %add3A_622, %and3A_628 : vector<16xi32>
      %gather3A_630 = tpu.vector_load_idx %arg8[%add3A_629] : memref<512xf32, #tpu.memory_space<vmem>>[vector<16xi32>], vector<16xf32>,
      %add3A_631 = arith.addf %add3A_616, %gather3A_630 : vector<16xf32>
      %mul3A_632 = arith.constant 4 : i32
      %mul3A_633 = arith.muli %scan3A_73, %mul3A_632 : i32
      %mul3A_634 = arith.constant 8 : i32
      %mul3A_635 = arith.muli %mul3A_633, %mul3A_634 : i32
      %add3A_636 = arith.constant 16 : i32
      %add3A_637 = arith.addi %mul3A_635, %add3A_636 : i32
      %multiple_of3A_638 = tpu.assume_multiple %add3A_637, 16 : i32
      %swap3A_639 = arith.constant 0 : i32
      %swap3A_640 = tpu.memref_slice %arg7[%scan3A_33, %swap3A_639] : memref<2x512xf32, #tpu.memory_space<vmem>> -> memref<1x512xf32, #tpu.memory_space<vmem>>
      %swap3A_641 = tpu.memref_squeeze %swap3A_640 : memref<1x512xf32, #tpu.memory_space<vmem>> -> memref<512xf32, #tpu.memory_space<vmem>>
      %swap3A_642 = arith.index_cast %multiple_of3A_638 : i32 to index
      %swap3A_643 = tpu.vector_load %swap3A_641[%swap3A_642] {strides = array<i32>} : memref<512xf32, #tpu.memory_space<vmem>>, vector<16xf32>,
      tpu.vector_store %swap3A_641[%swap3A_642], %add3A_631 {strides = array<i32>} : memref<512xf32, #tpu.memory_space<vmem>>, vector<16xf32>,
      %scan3A_644 = arith.constant 0 : i32
      scf.yield %scan3A_644 : i32
    }
    %scan3A_40 = arith.constant 16 : i32
    %add3A_41 = arith.constant 0 : i32
    %add3A_42 = arith.addi %mul3A_2, %add3A_41 : i32
    %mul3A_43 = arith.constant 8 : i32
    %mul3A_44 = arith.muli %add3A_42, %mul3A_43 : i32
    %dma_start3A_45 = arith.constant 0 : i32
    %dma_start3A_46 = arith.constant 0 : i32
    %dma_start3A_47 = arith.constant 0 : i32
    %dma_start3A_48 = tpu.memref_slice %arg7[%dma_start3A_45, %dma_start3A_47] : memref<2x512xf32, #tpu.memory_space<vmem>> -> memref<1x512xf32, #tpu.memory_space<vmem>>
    %dma_start3A_49 = tpu.memref_squeeze %dma_start3A_48 : memref<1x512xf32, #tpu.memory_space<vmem>> -> memref<512xf32, #tpu.memory_space<vmem>>
    %dma_start3A_50 = tpu.memref_slice %arg4[%mul3A_44] : memref<16384xf32, #tpu.memory_space<hbm>> -> memref<512xf32, #tpu.memory_space<hbm>>
    %dma_start3A_51 = tpu.memref_slice %arg10[%dma_start3A_46] : memref<2x!tpu.dma_semaphore, #tpu.memory_space<semaphore_mem>> -> memref<1x!tpu.dma_semaphore, #tpu.memory_space<semaphore_mem>>
    %dma_start3A_52 = tpu.memref_squeeze %dma_start3A_51 : memref<1x!tpu.dma_semaphore, #tpu.memory_space<semaphore_mem>> -> memref<!tpu.dma_semaphore, #tpu.memory_space<semaphore_mem>>
    %dma_start3A_53 = tpu.memref_slice %arg4[%mul3A_44] : memref<16384xf32, #tpu.memory_space<hbm>> -> memref<512xf32, #tpu.memory_space<hbm>>
    %dma_start3A_54 = arith.constant 0 : i32
    %dma_start3A_55 = tpu.memref_slice %arg7[%dma_start3A_45, %dma_start3A_54] : memref<2x512xf32, #tpu.memory_space<vmem>> -> memref<1x512xf32, #tpu.memory_space<vmem>>
    %dma_start3A_56 = tpu.memref_squeeze %dma_start3A_55 : memref<1x512xf32, #tpu.memory_space<vmem>> -> memref<512xf32, #tpu.memory_space<vmem>>
    tpu.enqueue_dma source(%dma_start3A_56 : memref<512xf32, #tpu.memory_space<vmem>>) target(%dma_start3A_53 : memref<512xf32, #tpu.memory_space<hbm>>) target_semaphore(%dma_start3A_52 : memref<!tpu.dma_semaphore, #tpu.memory_space<semaphore_mem>>)
    %add3A_57 = arith.constant 0 : i32
    %add3A_58 = arith.addi %mul3A_2, %add3A_57 : i32
    %mul3A_59 = arith.constant 8 : i32
    %mul3A_60 = arith.muli %add3A_58, %mul3A_59 : i32
    %dma_wait3A_61 = arith.constant 0 : i32
    %dma_wait3A_62 = arith.constant 0 : i32
    %dma_wait3A_63 = arith.constant 0 : i32
    %dma_wait3A_64 = tpu.memref_slice %arg7[%dma_wait3A_61, %dma_wait3A_63] : memref<2x512xf32, #tpu.memory_space<vmem>> -> memref<1x512xf32, #tpu.memory_space<vmem>>
    %dma_wait3A_65 = tpu.memref_squeeze %dma_wait3A_64 : memref<1x512xf32, #tpu.memory_space<vmem>> -> memref<512xf32, #tpu.memory_space<vmem>>
    %dma_wait3A_66 = tpu.memref_slice %arg4[%mul3A_60] : memref<16384xf32, #tpu.memory_space<hbm>> -> memref<512xf32, #tpu.memory_space<hbm>>
    %dma_wait3A_67 = tpu.memref_slice %arg10[%dma_wait3A_62] : memref<2x!tpu.dma_semaphore, #tpu.memory_space<semaphore_mem>> -> memref<1x!tpu.dma_semaphore, #tpu.memory_space<semaphore_mem>>
    %dma_wait3A_68 = tpu.memref_squeeze %dma_wait3A_67 : memref<1x!tpu.dma_semaphore, #tpu.memory_space<semaphore_mem>> -> memref<!tpu.dma_semaphore, #tpu.memory_space<semaphore_mem>>
    %dma_wait3A_69 = tpu.memref_slice %arg4[%mul3A_60] : memref<16384xf32, #tpu.memory_space<hbm>> -> memref<512xf32, #tpu.memory_space<hbm>>
    %dma_wait3A_70 = arith.constant 0 : i32
    %dma_wait3A_71 = tpu.memref_slice %arg7[%dma_wait3A_61, %dma_wait3A_70] : memref<2x512xf32, #tpu.memory_space<vmem>> -> memref<1x512xf32, #tpu.memory_space<vmem>>
    %dma_wait3A_72 = tpu.memref_squeeze %dma_wait3A_71 : memref<1x512xf32, #tpu.memory_space<vmem>> -> memref<512xf32, #tpu.memory_space<vmem>>
    tpu.wait_dma2 semaphore(%dma_wait3A_68 : memref<!tpu.dma_semaphore, #tpu.memory_space<semaphore_mem>>) src(%dma_wait3A_72 : memref<512xf32, #tpu.memory_space<vmem>>) dst(%dma_wait3A_69 : memref<512xf32, #tpu.memory_space<hbm>>)
    return
  }
}

</mosaic_0001>

<sc_bundles>
// kernel: kernel.3.cloned.1.call-start
scs
__scs_entry_jumppad:
0x0: {  	(pc) =	sbr.rel $0x88, $3  }
0x1: {  	(tag) =	ssettag $0x0;
	lr =	simm.s32 $0x1  }
0x2: {  	[smem:$0x3F9F] =	sst lr;
	_ =	strace $0xD0000000  }
0x3: {  	_ = 	snop  }
0x4: {  	_ = 	snop  }
0x5: {  	_ = 	snop  }
0x6: {  	_ = 	snop  }
0x7: {  	_ = 	snop  }
__scs_overlays_trampoline_lowered:
0x8: {  	[smem:$0x3FAE] =	sst s0  }
0x9: {  	[smem:$0x3FAF] =	sst s1  }
0xa: {  	[smem:$0x3FB0] =	sst s2  }
0xb: {  	[smem:$0x3FB1] =	sst s3  }
0xc: {  	[smem:$0x3FB2] =	sst s4  }
0xd: {  	[smem:$0x3FB3] =	sst s5  }
0xe: {  	[smem:$0x3FB4] =	sst s6  }
0xf: {  	[smem:$0x3FB5] =	sst s7  }
0x10: {  	[smem:$0x3FB6] =	sst s8  }
0x11: {  	[smem:$0x3FB7] =	sst s9;
	s0 =	simm.s32 @!p0 $0x0  }
0x12: {  	s1 =	sld [smem:$0x3F9D];
	s0 =	simm.s32 @p0 $0x1  }
0x13: {  	[smem:$0x3FB8] =	sst s0;
	s0 =	simm.s32 @!p1 $0x0  }
0x14: {  	s2 =	sld [smem:$0x3F9C];
	s0 =	simm.s32 @p1 $0x1  }
0x15: {  	[smem:$0x3FB9] =	sst s0;
	s0 =	simm.s32 @!p2 $0x0  }
0x16: {  	s3 =	sld [smem:$0x3FDB];
	s0 =	simm.s32 @p2 $0x1  }
0x17: {  	s4 =	simm.s32 $0x1BF5;
	[smem:$0x3FBB] =	sst s0  }
0x18: {  	s0 =	sld [smem:$0x3F9E];
	_ =	swait.ge [sflag:s4], $0x0  }
0x19: {  	s7 =	sld [smem:$0x3F9F]  }
0x1a: {  	s8 =	sadd.s32 $0xFFFFE003, lr  }
0x1b: {  	s9 =	sadd.s32 $0xFFFFFEF7, lr;
	s5 =	simm.s32 $0xFFFFFFFF;
	p2 =	slt.u32 s8, $0xFFFFF086  }
0x1c: {  	p1 =	slt.u32 s9, $0xF7A;
	s5 =	simm.s32 @!p2 $0x0  }
0x1d: {  	s5 =	simm.s32 @p1 $0x1;
	p0 =	seq.s32 s7, s2  }
0x1e: {  	s7 =	smul.u32 @!p0 $0xF7A, s2;
	p2 =	seq.s32 @!p0 s5, $0x0  }
0x1f: {  	s9 =	smul.u32 $0xF7A, s1;
	s8 =	simm.s32 @!p0 $0x1BF5;
	p2 =	por !p2, p0  }
0x20: {  	[sflag:s8] =	ssyncset.s32 @!p0 $0xFFFFF086;
	s6 =	sadd.s32 @!p0 s3, s7;
	s7 =	simm.s32 @!p0 $0x108  }
0x21: {  	s3 =	sadd.s32 s3, s9;
	s6 =	sadd.s32 @!p0 $0x88, s6;
	s7 =	simm.s32 @p2 $0x1082  }
0x22: {  	[simem:s7], [sflag:s8] =	dma.local @!p0 [hbm:s6], $0xF7A  }
0x23: {  	s9 =	sor.u32 $0xD0000000, s2;
	s6 =	simm.s32 $0x108;
	_ =	swait.ge @!p0 [sflag:s8], $0x0  }
0x24: {  	s3 =	sadd.s32 $0x88, s3;
	s6 =	simm.s32 @!p1 $0x1082;
	[sflag:s4] =	ssyncset.s32 $0xFFFFF086  }
0x25: {  	[simem:s6], [sflag:s4] =	dma.local [hbm:s3], $0xF7A  }
0x26: {  	[smem:$0x3F9F] =	sst s1;
	(tag) =	ssettag s2;
	_ =	strace s9  }
0x27: {  	s1 =	sld [smem:$0x3FAF]  }
0x28: {  	s2 =	sld [smem:$0x3FB0]  }
0x29: {  	s4 =	sld [smem:$0x3FB2]  }
0x2a: {  	p0 =	seq.s32 s5, $0x0;
	s5 =	sld [smem:$0x3FB3]  }
0x2b: {  	s6 =	sld [smem:$0x3FB4]  }
0x2c: {  	s7 =	sld [smem:$0x3FB5]  }
0x2d: {  	s3 =	simm.s32 $0x108;
	s8 =	sld [smem:$0x3FB6]  }
0x2e: {  	s3 =	simm.s32 @!p0 $0x1082;
	s9 =	sld [smem:$0x3FB7]  }
0x2f: {  	lr =	sadd.s32 s0, s3;
	s0 =	sld [smem:$0x3FAE]  }
0x30: {  	s3 =	sld [smem:$0x3FB1]  }
0x31: {  	[smem:$0x3FBA] =	sst s10  }
0x32: {  	s10 =	sld [smem:$0x3FB8];
	_ =	sdelay $0x3  }
0x33: {  	p0 =	seq.s32 s10, $0x1;
	s10 =	sld [smem:$0x3FBA];
	_ =	sdelay $0x3  }
0x34: {  	[smem:$0x3FBA] =	sst s10  }
0x35: {  	s10 =	sld [smem:$0x3FB9];
	_ =	sdelay $0x3  }
0x36: {  	p1 =	seq.s32 s10, $0x1;
	s10 =	sld [smem:$0x3FBA];
	_ =	sdelay $0x3  }
0x37: {  	[smem:$0x3FBA] =	sst s10  }
0x38: {  	s10 =	sld [smem:$0x3FBB]  }
0x39: {  	_ = 	snop;
	(pc) =	sbr.ind lr, $3  }
0x3a: {  	_ = 	snop  }
0x3b: {  	_ = 	snop  }
0x3c: {  	p2 =	seq.s32 s10, $0x1;
	s10 =	sld [smem:$0x3FBA]  }
0x3d: {  	_ =	shalt  }
0x3e: {  	_ =	shalt  }
0x3f: {  	_ =	shalt  }
0x40: {  	_ =	shalt  }
0x41: {  	_ =	shalt  }
0x42: {  	_ =	shalt  }
0x43: {  	_ =	shalt  }
0x44: {  	_ =	shalt  }
0x45: {  	_ =	shalt  }
0x46: {  	_ =	shalt  }
0x47: {  	_ =	shalt  }
0x48: {  	_ =	shalt  }
0x49: {  	_ =	shalt  }
0x4a: {  	_ =	shalt  }
0x4b: {  	_ =	shalt  }
0x4c: {  	_ =	shalt  }
0x4d: {  	_ =	shalt  }
0x4e: {  	_ =	shalt  }
0x4f: {  	_ =	shalt  }
0x50: {  	_ =	shalt  }
0x51: {  	_ =	shalt  }
0x52: {  	_ =	shalt  }
0x53: {  	_ =	shalt  }
0x54: {  	_ =	shalt  }
0x55: {  	_ =	shalt  }
0x56: {  	_ =	shalt  }
0x57: {  	_ =	shalt  }
0x58: {  	_ =	shalt  }
0x59: {  	_ =	shalt  }
0x5a: {  	_ =	shalt  }
0x5b: {  	_ =	shalt  }
0x5c: {  	_ =	shalt  }
0x5d: {  	_ =	shalt  }
0x5e: {  	_ =	shalt  }
0x5f: {  	_ =	shalt  }
0x60: {  	_ =	shalt  }
0x61: {  	_ =	shalt  }
0x62: {  	_ =	shalt  }
0x63: {  	_ =	shalt  }
0x64: {  	_ =	shalt  }
0x65: {  	_ =	shalt  }
0x66: {  	_ =	shalt  }
0x67: {  	_ =	shalt  }
0x68: {  	_ =	shalt  }
0x69: {  	_ =	shalt  }
0x6a: {  	_ =	shalt  }
0x6b: {  	_ =	shalt  }
0x6c: {  	_ =	shalt  }
0x6d: {  	_ =	shalt  }
0x6e: {  	_ =	shalt  }
0x6f: {  	_ =	shalt  }
0x70: {  	_ =	shalt  }
0x71: {  	_ =	shalt  }
0x72: {  	_ =	shalt  }
0x73: {  	_ =	shalt  }
0x74: {  	_ =	shalt  }
0x75: {  	_ =	shalt  }
0x76: {  	_ =	shalt  }
0x77: {  	_ =	shalt  }
0x78: {  	_ =	shalt  }
0x79: {  	_ =	shalt  }
0x7a: {  	_ =	shalt  }
0x7b: {  	_ =	shalt  }
0x7c: {  	_ =	shalt  }
0x7d: {  	_ =	shalt  }
0x7e: {  	_ =	shalt  }
0x7f: {  	_ =	shalt  }
0x80: {  	_ =	shalt  }
0x81: {  	_ =	shalt  }
0x82: {  	_ =	shalt  }
0x83: {  	_ =	shalt  }
0x84: {  	_ =	shalt  }
0x85: {  	_ =	shalt  }
0x86: {  	_ =	shalt  }
0x87: {  	_ =	shalt  }
.Lfunc_end0:
.L_simem_size_0:
called_computation_lowered:
.L_overlay_start_0:
0x88: {  	s2 =	sld [smem:$0x3FD9]  }
0x89: {  	s3 =	sld [smem:$0x3FFE];
	_ =	sdelay $0x1  }
0x8a: {  	s1 =	srdreg.scid  }
0x8b: {  	s0 =	sand.u32 $0x1, s1  }
0x8c: {  	s17 =	sshll.u32 s0, $0xA;
	s2 =	sadd.s32 s3, s2  }
0x8d: {  	s2 =	sadd.s32 s2, s17  }
0x8e: {  	[smem:$0x3FC6] =	sst s2  }
0x8f: {  	_ = 	snop  }
0x90: {  	s2 =	sld [smem:$0x3FD0];
	(tm) =	ssettm $0x1  }
0x91: {  	s18 =	sld [smem:$0x3FFB];
	_ =	sdelay $0x3  }
0x92: {  	_ =	strace s18  }
0x93: {  	s3 =	sld [smem:$0x3FFC];
	_ =	sdelay $0x3  }
0x94: {  	_ =	strace s3  }
0x95: {  	s3 =	sld [smem:$0x3FFD];
	_ =	sdelay $0x3  }
0x96: {  	_ =	strace s3  }
0x97: {  	_ =	strace $0x8FFFFFFF  }
0x98: {  	s19 =	sld [smem:$0x3FDB];
	_ =	sdelay $0x1  }
0x99: {  	s4 =	simm.s32 $_scs_section_size  }
0x9a: {  	s5 =	simm.s32 $_size__tile_overlayer_lowered;
	s6 =	simm.s32 $_tile_overlayer_lowered  }
0x9b: {  	s22 =	simm.s32 $0x1BFF;
	s21 =	sshll.u32 s6, $0x1;
	s3 =	sadd.s32 s4, s19  }
0x9c: {  	s7 =	simm.s32 $0x0;
	s20 =	sshll.u32 s5, $0x1;
	s5 =	sadd.s32 s21, s3  }
0x9d: {  	[timem:s7], [sflag:s22] =	dma.local [hbm:s5], s20  }
0x9e: {  	_ =	swait.ge [sflag:s22], s20  }
0x9f: {  	s4 =	ssub.s32 $0x0, s20;
	[sflag:s22] =	ssyncset.done $0x0  }
0xa0: {  	[sflag:s22] =	ssyncadd.s32 s4;
	_ =	sdelay $0x1  }
0xa1: {  	s23 =	simm.s32 $0x1B8B  }
0xa2: {  	_ =	swait.ge [sflag:s23], $0x1  }
0xa3: {  	[sflag:s23] =	ssyncset.done $0x0  }
0xa4: {  	s25 =	simm.s32 $0x1B8E;
	s24 =	sld [smem:$0x3FFE];
	[sflag:s23] =	ssyncadd.s32 $0xFFFFFFFF  }
0xa5: {  	s26 =	simm.s32 $execute0_lowered;
	[smem:$0x3FD2] =	sst s25  }
0xa6: {  	s5 =	sshll.u32 s26, $0x1;
	_ =	strace $0x80000046;
	[dreg:$0x1] =	wrdreg $0xFFFFFFFF  }
0xa7: {  	s28 =	simm.s32 $_size_execute0_lowered;
	s3 =	sadd.s32 s3, s5;
	[dreg:$0x0] =	wrdreg $0x0  }
0xa8: {  	s5 =	sshll.u32 s28, $0x1;
	[dreg:$0x2] =	wrdreg s3  }
0xa9: {  	[dreg:$0x3] =	wrdreg s5  }
0xaa: {  	[dreg:$0x4] =	wrdreg $0xC0  }
0xab: {  	_ =	task [dreg:s7], $0x5FFFF  }
0xac: {  	[dreg:$0x1] =	wrdreg $0xFFFFFFFF  }
0xad: {  	[dreg:$0x0] =	wrdreg $0x60  }
0xae: {  	[dreg:$0x2] =	wrdreg s24  }
0xaf: {  	[dreg:$0x3] =	wrdreg s2  }
0xb0: {  	[dreg:$0x4] =	wrdreg $0x9  }
0xb1: {  	_ =	task.clear_ibuf [dreg:s7], $0x5FFFF;
	_ =	strace $0x90000046  }
0xb2: {  	s29 =	simm.s32 $0x9;
	_ =	strace $0x80000048  }
0xb3: {  	_ =	swait.ge [sflag:s29], $0x1  }
0xb4: {  	[sflag:s29] =	ssyncadd.s32 $0xFFFFFFFF  }
0xb5: {  	_ =	strace $0x90000048  }
0xb6: {  	_ =	sfence  }
0xb7: {  	s30 =	sld [smem:$0x0];
	_ =	sdelay $0x2  }
0xb8: {  	s31 =	sshll.u32 s1, $0xD;
	s1 =	sshrl.u32 s1, $0x2  }
0xb9: {  	s3 =	sand.u32 $0x4000, s31;
	s1 =	sadd.s32 s1, s30  }
0xba: {  	s0 =	sor.u32 s3, s0;
	s1 =	sshll.u32 s1, $0x11  }
0xbb: {  	s0 =	sor.u32 s1, s0  }
0xbc: {  	s0 =	sadd.s32 $0x8F2B, s0  }
0xbd: {  	[sflag:s0] =	ssyncadd.remote.s32 $0x1  }
0xbe: {  	_ =	sfence.sel $0xFFFF  }
0xbf: {  	[dreg:$0x0] =	wrdreg $0xFFFFFFFF;
	(pc) =	sbr.abs _section_cstart, $3  }
0xc0: {  	[dreg:$0x1] =	wrdreg $0xFFFFFFFF  }
0xc1: {  	_ =	task.clear_ibuf [dreg:s7], $0x2FFFF;
	_ =	strace $0x9FFFFFFF  }
0xc2: {  	(tm) =	ssettm $0x7FFFFFFF  }
0xc3: {  	_ =	shalt  }
tec
execute0_lowered:
.L_overlay_start_1:
0x0: {  	(tag) =	ssettag $0x1  }
0x1: {  	v0 =	vimm.s32 $0xBCAB9A89  }
0x2: {  	v1 =	vimm.s32 $0xF0EFDECD;
	v2 =	vimm.s32 $0x34231201;
	v3 =	vimm.s32 $0x78675645  }
0x3: {  	v4 =	vlaneseq.u32;
	vm0 =	vcmask $0x1F10;
	v42 =	vimm.s32 $0xBDAC9B8A  }
0x4: {  	v44 =	vimm.s32 $0xF1E0DFCE;
	v45 =	vimm.s32 $0x35241302;
	v5 =	vimm.s32 $0x79685746  }
0x5: {  	v48 =	vimm.s32 $0xBEAD9C8B;
	v50 =	vimm.s32 $0xF2E1D0CF;
	v51 =	vimm.s32 $0x36251403  }
0x6: {  	v52 =	vimm.s32 $0x7A695847;
	v55 =	vimm.s32 $0xBFAE9D8C;
	v56 =	vimm.s32 $0xF3E2D1C0  }
0x7: {  	v58 =	vimm.s32 $0x37261504;
	v6 =	vimm.s32 $0x7B6A5948;
	v7 =	vimm.s32 $0xB0AF9E8D  }
0x8: {  	v8 =	vimm.s32 $0xF4E3D2C1;
	v9 =	vimm.s32 $0x38271605;
	v10 =	vimm.s32 $0x7C6B5A49  }
0x9: {  	v12 =	vimm.s32 $0x39281706;
	v13 =	vimm.s32 $0x7D6C5B4A;
	v14 =	vimm.s32 $0xB2A1908F  }
0xa: {  	v15 =	vimm.s32 $0xF6E5D4C3;
	v16 =	vimm.s32 $0x3A291807;
	v17 =	vimm.s32 $0x7E6D5C4B  }
0xb: {  	v19 =	vimm.s32 $0xB3A29180;
	v22 =	vimm.s32 $0xF7E6D5C4;
	v23 =	vimm.s32 $0x3B2A1908  }
0xc: {  	v32 =	vimm.s32 $0x7F6E5D4C;
	v34 =	vimm.s32 $0xB4A39281;
	v36 =	vimm.s32 $0xF8E7D6C5  }
0xd: {  	v37 =	vimm.s32 $0x3C2B1A09;
	v38 =	vimm.s32 $0x706F5E4D;
	vm11 =	vcmask $0x300  }
0xe: {  	vm12 =	vcmask $0x704;
	vm13 =	vcmask $0xB08;
	vm14 =	vcmask $0xF0C  }
0xf: {  	vm10 =	vcmask $0x1310;
	vm8 =	vcmask $0x1714;
	vm2 =	vcmask $0x1B18  }
0x10: {  	vm15 =	vcmask $0x1F1C;
	vm1 =	vcmask $0x2320;
	vm3 =	vcmask $0x2724  }
0x11: {  	vm4 =	vcmask $0x2B28;
	vm5 =	vcmask $0x2F2C;
	vm6 =	vcmask $0x3330  }
0x12: {  	vm7 =	vcmask $0x3734;
	vm9 =	vcmask $0x3B38;
	v0 =	vunpack.c.0.s8.s32 v0  }
0x13: {  	v1 =	vunpack.c.0.s8.s32 v1;
	v2 =	vunpack.c.0.s8.s32 v2;
	v3 =	vunpack.c.0.s8.s32 v3  }
0x14: {  	v43 =	vunpack.c.0.s8.s32 v42;
	v11 =	vmul.u32 $0x11, v4;
	v46 =	vunpack.c.0.s8.s32 v5  }
0x15: {  	v53 =	vunpack.c.0.s8.s32 v51;
	v54 =	vunpack.c.0.s8.s32 v52;
	v57 =	vunpack.c.0.s8.s32 v56  }
0x16: {  	v5 =	vunpack.c.0.s8.s32 v58;
	v6 =	vunpack.c.0.s8.s32 v6;
	v7 =	vunpack.c.0.s8.s32 v7  }
0x17: {  	v8 =	vunpack.c.0.s8.s32 v8;
	v9 =	vunpack.c.0.s8.s32 v9;
	v10 =	vunpack.c.0.s8.s32 v10  }
0x18: {  	v4 =	vunpack.c.0.s8.s32 v14;
	v51 =	vimm.s32 $0xB6A59483;
	v52 =	vimm.s32 $0xFAE9D8C7  }
0x19: {  	v58 =	vimm.s32 $0xFBEAD9C8;
	v0 =	vsel vm0, v1, v0;
	v41 =	vsel vm0, v3, v2  }
0x1a: {  	v2 =	vunpack.c.0.s8.s32 v44;
	v3 =	vunpack.c.0.s8.s32 v45;
	v1 =	vunpack.c.0.s8.s32 v48  }
0x1b: {  	v60 =	vsel vm0, v6, v5;
	v61 =	vsel vm0, v8, v7;
	v62 =	vsel vm0, v10, v9  }
0x1c: {  	v7 =	vimm.s32 $0xB1A09F8E;
	v8 =	vimm.s32 $0xF5E4D3C2;
	v45 =	vimm.s32 $0xF9E8D7C6  }
0x1d: {  	v0 =	vcombine.low v41, v0;
	v5 =	vcombine.low v62, v61;
	v9 =	vunpack.c.0.s8.s32 v7  }
0x1e: {  	v10 =	vunpack.c.0.s8.s32 v8;
	v7 =	vunpack.c.0.s8.s32 v17;
	v61 =	vimm.s32 $0x73625140  }
0x1f: {  	v62 =	vimm.s32 $0xB8A79685;
	v47 =	vsel vm0, v2, v43;
	v49 =	vsel vm0, v46, v3  }
0x20: {  	v3 =	vunpack.c.0.s8.s32 v50;
	v2 =	vsel vm0, v54, v53;
	v43 =	vimm.s32 $0xB5A49382  }
0x21: {  	v46 =	vimm.s32 $0x3D2C1B0A;
	v53 =	vimm.s32 $0x3E2D1C0B;
	v54 =	vimm.s32 $0x7261504F  }
0x22: {  	v0 =	vand.u32 $0xFF, v0;
	v44 =	vunpack.c.0.s8.s32 v43;
	v48 =	vunpack.c.0.s8.s32 v46  }
0x23: {  	v56 =	vunpack.c.0.s8.s32 v54;
	v46 =	vimm.s32 $0x1F2;
	v54 =	vimm.s32 $0x1F6  }
0x24: {  	[tilespmem:$0x1FE70] =	vst v0;
	v0 =	vcombine.low v49, v47;
	v1 =	vsel vm0, v3, v1;
	v3 =	vunpack.c.0.s8.s32 v55  }
0x25: {  	v47 =	vimm.s32 $0x71605F4E;
	v55 =	vunpack.c.0.s8.s32 v53;
	v1 =	vcombine.low v2, v1  }
0x26: {  	v49 =	vunpack.c.0.s8.s32 v47;
	v59 =	vsel vm0, v57, v3;
	v0 =	vand.u32 $0xFF, v0  }
0x27: {  	v3 =	vunpack.c.0.s8.s32 v13;
	v57 =	vimm.s32 $0xB7A69584;
	v13 =	vimm.s32 $0x74635241  }
0x28: {  	v2 =	vcombine.low v60, v59;
	[tilespmem:$0x1FE80] =	vst v0;
	v63 =	vand.u32 $0xFF, v1;
	v0 =	vand.u32 $0xFF, v5  }
0x29: {  	v5 =	vunpack.c.0.s8.s32 v15;
	v59 =	vunpack.c.0.s8.s32 v58;
	v60 =	vimm.s32 $0x3F2E1D0C;
	[tilespmem:$0x1FE90] =	vst v63  }
0x2a: {  	v58 =	vimm.s32 $0x1F9;
	[tilespmem:$0x1FEB0] =	vst v0;
	v0 =	vsel vm0, v10, v9;
	v63 =	vimm.s32 $0xFCEBDAC9  }
0x2b: {  	v10 =	vunpack.c.0.s8.s32 v13;
	v6 =	vand.u32 $0xFF, v2;
	v2 =	vunpack.c.0.s8.s32 v12  }
0x2c: {  	v20 =	vsel vm0, v5, v4;
	v5 =	vunpack.c.0.s8.s32 v22;
	v12 =	vimm.s32 $0x302F1E0D  }
0x2d: {  	v8 =	vunpack.c.0.s8.s32 v63;
	v22 =	vimm.s32 $0x31201F0E;
	[tilespmem:$0x1FEA0] =	vst v6;
	v6 =	vunpack.c.0.s8.s32 v16  }
0x2e: {  	v63 =	vimm.s32 $0x1FE;
	v9 =	vunpack.c.0.s8.s32 v12;
	v18 =	vsel vm0, v3, v2  }
0x2f: {  	v2 =	vunpack.c.0.s8.s32 v19;
	v3 =	vunpack.c.0.s8.s32 v34;
	v21 =	vsel vm0, v7, v6  }
0x30: {  	v6 =	vunpack.c.0.s8.s32 v23;
	v7 =	vunpack.c.0.s8.s32 v32;
	v0 =	vcombine.low v18, v0  }
0x31: {  	v17 =	vsel vm0, v10, v9;
	v18 =	vimm.s32 $0xB9A89786;
	v23 =	vimm.s32 $0x75645342  }
0x32: {  	v33 =	vcombine.low v21, v20;
	v2 =	vsel vm0, v5, v2;
	v5 =	vunpack.c.0.s8.s32 v36  }
0x33: {  	v20 =	vunpack.c.0.s8.s32 v18;
	v21 =	vimm.s32 $0xFDECDBCA;
	v35 =	vsel vm0, v7, v6  }
0x34: {  	v6 =	vunpack.c.0.s8.s32 v37;
	v7 =	vunpack.c.0.s8.s32 v38;
	v0 =	vand.u32 $0xFF, v0  }
0x35: {  	v37 =	vimm.s32 $0xBAA99887;
	v38 =	vimm.s32 $0xFEEDDCCB;
	v39 =	vand.u32 $0xFF, v33  }
0x36: {  	v40 =	vcombine.low v35, v2;
	v41 =	vsel vm0, v5, v3;
	v3 =	vunpack.c.0.s8.s32 v45  }
0x37: {  	v2 =	vunpack.c.0.s8.s32 v51;
	v5 =	vunpack.c.0.s8.s32 v60;
	v45 =	vimm.s32 $0x1F1  }
0x38: {  	v51 =	vimm.s32 $0x1F5;
	v60 =	vimm.s32 $0x1FB;
	v42 =	vsel vm0, v7, v6  }
0x39: {  	[tilespmem:$0x1FED0] =	vst v39;
	v6 =	vunpack.c.0.s8.s32 v61;
	v7 =	vunpack.c.0.s8.s32 v62;
	v39 =	vimm.s32 $0x3221100F  }
0x3a: {  	v61 =	vimm.s32 $0x1FC;
	v62 =	vimm.s32 $0x1FD;
	v1 =	vcombine.low v42, v41  }
0x3b: {  	[tilespmem:$0x1FEC0] =	vst v0;
	v0 =	vand.u32 $0xFF, v40;
	v50 =	vsel vm0, v3, v44;
	v3 =	vunpack.c.0.s8.s32 v52  }
0x3c: {  	v40 =	vimm.s32 $0x1F0;
	v41 =	vimm.s32 $0x76655443;
	v44 =	vor.u32 $0x100, v11  }
0x3d: {  	[tilespmem:$0x1FEE0] =	vst v0;
	v0 =	vsel vm0, v49, v48;
	v15 =	vsel vm0, v6, v5;
	v16 =	vsel vm0, v8, v7  }
0x3e: {  	v5 =	vunpack.c.0.s8.s32 v21;
	v6 =	vunpack.c.0.s8.s32 v22;
	v7 =	vunpack.c.0.s8.s32 v23  }
0x3f: {  	v4 =	vsel vm11, $0x101, v40;
	v49 =	vimm.s32 $0x1F3;
	v1 =	vand.u32 $0xFF, v1  }
0x40: {  	v0 =	vcombine.low v0, v50;
	v2 =	vsel vm0, v3, v2;
	v3 =	vunpack.c.0.s8.s32 v57  }
0x41: {  	v19 =	vcombine.low v17, v16;
	v4 =	vsel vm12, $0x112, v4;
	v50 =	vimm.s32 $0x1F4  }
0x42: {  	[tilespmem:$0x1FEF0] =	vst v1;
	v1 =	vsel vm0, v56, v55;
	v35 =	vsel vm0, v5, v20;
	v36 =	vsel vm0, v7, v6  }
0x43: {  	v5 =	vunpack.c.0.s8.s32 v41;
	v1 =	vcombine.low v1, v2;
	v14 =	vsel vm0, v59, v3  }
0x44: {  	v42 =	vsel vm13, $0x123, v4;
	v55 =	vimm.s32 $0x1F7;
	v2 =	vcombine.low v15, v14  }
0x45: {  	v0 =	vand.u32 $0xFF, v0;
	v3 =	vunpack.c.0.s8.s32 v39;
	v32 =	vand.u32 $0xFF, v1  }
0x46: {  	v1 =	vunpack.c.0.s8.s32 v37;
	v33 =	vand.u32 $0xFF, v2;
	v2 =	vunpack.c.0.s8.s32 v38  }
0x47: {  	v56 =	vimm.s32 $0x1F8;
	v34 =	vand.u32 $0xFF, v19;
	[tilespmem:$0x1FF00] =	vst v0;
	v0 =	vcombine.low v36, v35  }
0x48: {  	v3 =	vsel vm0, v5, v3;
	v1 =	vsel vm0, v2, v1;
	v2 =	vsel vm14, $0x134, v42  }
0x49: {  	v59 =	vimm.s32 $0x1FA;
	v1 =	vcombine.low v3, v1;
	v2 =	vsel vm10, $0x145, v2  }
0x4a: {  	v0 =	vand.u32 $0xFF, v0;
	v43 =	vsel vm8, $0x156, v2;
	v2 =	vsel vm11, $0x103, v46  }
0x4b: {  	[tilespmem:$0x1FF40] =	vst v0;
	v1 =	vand.u32 $0xFF, v1;
	v0 =	vsel vm2, $0x167, v43;
	v2 =	vsel vm12, $0x114, v2  }
0x4c: {  	[tilespmem:$0x1FF50] =	vst v1;
	v0 =	vsel vm15, $0x178, v0;
	v1 =	vsel vm11, $0x102, v45;
	v2 =	vsel vm13, $0x125, v2  }
0x4d: {  	v1 =	vsel vm12, $0x113, v1;
	v0 =	vsel vm1, $0x189, v0;
	v2 =	vsel vm14, $0x136, v2  }
0x4e: {  	v1 =	vsel vm13, $0x124, v1;
	v0 =	vsel vm3, $0x19A, v0;
	v2 =	vsel vm10, $0x147, v2  }
0x4f: {  	v1 =	vsel vm14, $0x135, v1;
	v2 =	vsel vm8, $0x158, v2;
	v0 =	vsel vm4, $0x1AB, v0  }
0x50: {  	v1 =	vsel vm10, $0x146, v1;
	v2 =	vsel vm2, $0x169, v2;
	v0 =	vsel vm5, $0x1BC, v0  }
0x51: {  	v1 =	vsel vm8, $0x157, v1;
	v2 =	vsel vm15, $0x17A, v2;
	v0 =	vsel vm6, $0x1CD, v0  }
0x52: {  	v1 =	vsel vm2, $0x168, v1;
	v2 =	vsel vm1, $0x18B, v2;
	v0 =	vsel vm7, $0x1DE, v0  }
0x53: {  	v1 =	vsel vm15, $0x179, v1;
	v2 =	vsel vm3, $0x19C, v2;
	v0 =	vsel vm9, $0x1EF, v0  }
0x54: {  	v1 =	vsel vm1, $0x18A, v1;
	v2 =	vsel vm4, $0x1AD, v2;
	[tilespmem:$0x1FF80] =	vst v0;
	v0 =	vsel vm11, $0x104, v49  }
0x55: {  	v1 =	vsel vm3, $0x19B, v1;
	v2 =	vsel vm5, $0x1BE, v2;
	v0 =	vsel vm12, $0x115, v0  }
0x56: {  	v1 =	vsel vm4, $0x1AC, v1;
	v2 =	vsel vm6, $0x1CF, v2;
	v0 =	vsel vm13, $0x126, v0  }
0x57: {  	v1 =	vsel vm5, $0x1BD, v1;
	v2 =	vsel vm7, $0x1D0, v2;
	v0 =	vsel vm14, $0x137, v0  }
0x58: {  	v1 =	vsel vm6, $0x1CE, v1;
	v48 =	vsel vm9, $0x1E1, v2;
	v2 =	vsel vm11, $0x106, v51  }
0x59: {  	v0 =	vsel vm10, $0x148, v0;
	v1 =	vsel vm7, $0x1DF, v1;
	v2 =	vsel vm12, $0x117, v2  }
0x5a: {  	v0 =	vsel vm8, $0x159, v0;
	v47 =	vsel vm9, $0x1E0, v1;
	v1 =	vsel vm11, $0x105, v50  }
0x5b: {  	v2 =	vsel vm13, $0x128, v2;
	v0 =	vsel vm2, $0x16A, v0;
	v1 =	vsel vm12, $0x116, v1  }
0x5c: {  	v2 =	vsel vm14, $0x139, v2;
	v0 =	vsel vm15, $0x17B, v0;
	v1 =	vsel vm13, $0x127, v1  }
0x5d: {  	v2 =	vsel vm10, $0x14A, v2;
	v0 =	vsel vm1, $0x18C, v0;
	v1 =	vsel vm14, $0x138, v1  }
0x5e: {  	v2 =	vsel vm8, $0x15B, v2;
	v0 =	vsel vm3, $0x19D, v0;
	v1 =	vsel vm10, $0x149, v1  }
0x5f: {  	v2 =	vsel vm2, $0x16C, v2;
	v0 =	vsel vm4, $0x1AE, v0;
	v1 =	vsel vm8, $0x15A, v1  }
0x60: {  	v2 =	vsel vm15, $0x17D, v2;
	v0 =	vsel vm5, $0x1BF, v0;
	v1 =	vsel vm2, $0x16B, v1  }
0x61: {  	v2 =	vsel vm1, $0x18E, v2;
	v0 =	vsel vm6, $0x1C0, v0;
	v1 =	vsel vm15, $0x17C, v1  }
0x62: {  	v2 =	vsel vm3, $0x19F, v2;
	v0 =	vsel vm7, $0x1D1, v0;
	v1 =	vsel vm1, $0x18D, v1  }
0x63: {  	v2 =	vsel vm4, $0x1A0, v2;
	v0 =	vsel vm9, $0x1E2, v0;
	v1 =	vsel vm3, $0x19E, v1  }
0x64: {  	v2 =	vsel vm5, $0x1B1, v2;
	[tilespmem:$0x1FFB0] =	vst v0;
	v0 =	vsel vm11, $0x107, v54;
	v1 =	vsel vm4, $0x1AF, v1  }
0x65: {  	v2 =	vsel vm6, $0x1C2, v2;
	v0 =	vsel vm12, $0x118, v0;
	v1 =	vsel vm5, $0x1B0, v1  }
0x66: {  	v2 =	vsel vm7, $0x1D3, v2;
	v0 =	vsel vm13, $0x129, v0;
	v1 =	vsel vm6, $0x1C1, v1  }
0x67: {  	v53 =	vsel vm9, $0x1E4, v2;
	v2 =	vsel vm11, $0x109, v56;
	v0 =	vsel vm14, $0x13A, v0  }
0x68: {  	v1 =	vsel vm7, $0x1D2, v1;
	v2 =	vsel vm12, $0x11A, v2;
	v0 =	vsel vm10, $0x14B, v0  }
0x69: {  	v52 =	vsel vm9, $0x1E3, v1;
	v1 =	vsel vm11, $0x108, v55;
	v2 =	vsel vm13, $0x12B, v2  }
0x6a: {  	v0 =	vsel vm8, $0x15C, v0;
	v1 =	vsel vm12, $0x119, v1;
	v2 =	vsel vm14, $0x13C, v2  }
0x6b: {  	v0 =	vsel vm2, $0x16D, v0;
	v1 =	vsel vm13, $0x12A, v1;
	v2 =	vsel vm10, $0x14D, v2  }
0x6c: {  	v0 =	vsel vm15, $0x17E, v0;
	v1 =	vsel vm14, $0x13B, v1;
	v2 =	vsel vm8, $0x15E, v2  }
0x6d: {  	v0 =	vsel vm1, $0x18F, v0;
	v1 =	vsel vm10, $0x14C, v1;
	v2 =	vsel vm2, $0x16F, v2  }
0x6e: {  	v0 =	vsel vm3, $0x190, v0;
	v1 =	vsel vm8, $0x15D, v1;
	v2 =	vsel vm15, $0x170, v2  }
0x6f: {  	v0 =	vsel vm4, $0x1A1, v0;
	v1 =	vsel vm2, $0x16E, v1;
	v2 =	vsel vm1, $0x181, v2  }
0x70: {  	v0 =	vsel vm5, $0x1B2, v0;
	v1 =	vsel vm15, $0x17F, v1;
	v2 =	vsel vm3, $0x192, v2  }
0x71: {  	v0 =	vsel vm6, $0x1C3, v0;
	v1 =	vsel vm1, $0x180, v1;
	v2 =	vsel vm4, $0x1A3, v2  }
0x72: {  	v0 =	vsel vm7, $0x1D4, v0;
	v1 =	vsel vm3, $0x191, v1;
	v2 =	vsel vm5, $0x1B4, v2  }
0x73: {  	v0 =	vsel vm9, $0x1E5, v0;
	v1 =	vsel vm4, $0x1A2, v1;
	v2 =	vsel vm6, $0x1C5, v2  }
0x74: {  	[tilespmem:$0x1FFE0] =	vst v0;
	v0 =	vsel vm11, $0x10A, v58;
	v1 =	vsel vm5, $0x1B3, v1;
	v2 =	vsel vm7, $0x1D6, v2  }
0x75: {  	v0 =	vsel vm12, $0x11B, v0;
	v1 =	vsel vm6, $0x1C4, v1;
	v25 =	vsel vm9, $0x1E7, v2  }
0x76: {  	v2 =	vsel vm11, $0x10C, v60;
	v0 =	vsel vm13, $0x12C, v0;
	v1 =	vsel vm7, $0x1D5, v1  }
0x77: {  	v2 =	vsel vm12, $0x11D, v2;
	v57 =	vsel vm9, $0x1E6, v1;
	v1 =	vsel vm11, $0x10B, v59  }
0x78: {  	v0 =	vsel vm14, $0x13D, v0;
	v2 =	vsel vm13, $0x12E, v2;
	v1 =	vsel vm12, $0x11C, v1  }
0x79: {  	v0 =	vsel vm10, $0x14E, v0;
	v2 =	vsel vm14, $0x13F, v2;
	v1 =	vsel vm13, $0x12D, v1  }
0x7a: {  	v0 =	vsel vm8, $0x15F, v0;
	v2 =	vsel vm10, $0x140, v2;
	v1 =	vsel vm14, $0x13E, v1  }
0x7b: {  	v0 =	vsel vm2, $0x160, v0;
	v2 =	vsel vm8, $0x151, v2;
	v1 =	vsel vm10, $0x14F, v1  }
0x7c: {  	v0 =	vsel vm15, $0x171, v0;
	v2 =	vsel vm2, $0x162, v2;
	v1 =	vsel vm8, $0x150, v1  }
0x7d: {  	v0 =	vsel vm1, $0x182, v0;
	v2 =	vsel vm15, $0x173, v2;
	v1 =	vsel vm2, $0x161, v1  }
0x7e: {  	v0 =	vsel vm3, $0x193, v0;
	v2 =	vsel vm1, $0x184, v2;
	v1 =	vsel vm15, $0x172, v1  }
0x7f: {  	v0 =	vsel vm4, $0x1A4, v0;
	v2 =	vsel vm3, $0x195, v2;
	v1 =	vsel vm1, $0x183, v1  }
0x80: {  	v0 =	vsel vm5, $0x1B5, v0;
	v2 =	vsel vm4, $0x1A6, v2;
	v1 =	vsel vm3, $0x194, v1  }
0x81: {  	v0 =	vsel vm6, $0x1C6, v0;
	v2 =	vsel vm5, $0x1B7, v2;
	v1 =	vsel vm4, $0x1A5, v1  }
0x82: {  	v0 =	vsel vm7, $0x1D7, v0;
	v2 =	vsel vm6, $0x1C8, v2;
	v1 =	vsel vm5, $0x1B6, v1  }
0x83: {  	v26 =	vsel vm9, $0x1E8, v0;
	v2 =	vsel vm7, $0x1D9, v2;
	v1 =	vsel vm6, $0x1C7, v1  }
0x84: {  	v0 =	vsel vm11, $0x10D, v61;
	v28 =	vsel vm9, $0x1EA, v2;
	v1 =	vsel vm7, $0x1D8, v1  }
0x85: {  	v2 =	vsel vm11, $0x10F, v63;
	v27 =	vsel vm9, $0x1E9, v1;
	v1 =	vsel vm11, $0x10E, v62  }
0x86: {  	v0 =	vsel vm12, $0x11E, v0;
	v2 =	vsel vm12, $0x110, v2;
	v1 =	vsel vm12, $0x11F, v1  }
0x87: {  	v0 =	vsel vm13, $0x12F, v0;
	v2 =	vsel vm13, $0x121, v2;
	v1 =	vsel vm13, $0x120, v1  }
0x88: {  	v0 =	vsel vm14, $0x130, v0;
	v2 =	vsel vm14, $0x132, v2;
	v1 =	vsel vm14, $0x131, v1  }
0x89: {  	[tilespmem:$0x1FF60] =	vst v11;
	v0 =	vsel vm10, $0x141, v0;
	v2 =	vsel vm10, $0x143, v2;
	v1 =	vsel vm10, $0x142, v1  }
0x8a: {  	s3 =	rddreg [dreg:$0x0];
	s1 =	srdreg.scid;
	[tilespmem:$0x1FF70] =	vst v44;
	v0 =	vsel vm8, $0x152, v0;
	v2 =	vsel vm8, $0x154, v2;
	v1 =	vsel vm8, $0x153, v1  }
0x8b: {  	s0 =	stileid.u32;
	s5 =	rddreg [dreg:$0x1];
	[tilespmem:$0x1FF30] =	vst v34;
	v0 =	vsel vm2, $0x163, v0;
	v2 =	vsel vm2, $0x165, v2;
	v1 =	vsel vm2, $0x164, v1  }
0x8c: {  	s2 =	simm.s32 $0x0;
	s9 =	simm.s32 $0x1;
	s10 =	simm.s32 $0x19C00;
	[tilespmem:$0x1FF10] =	vst v32;
	v0 =	vsel vm15, $0x174, v0;
	v2 =	vsel vm15, $0x176, v2;
	v1 =	vsel vm15, $0x175, v1  }
0x8d: {  	s11 =	simm.s32 $0x19800;
	s4 =	sand.u32 $0x1, s1;
	s6 =	sshll.u32 s0, $0x1;
	[tilespmem:$0x1FF20] =	vst v33;
	v0 =	vsel vm1, $0x185, v0;
	v2 =	vsel vm1, $0x187, v2;
	v1 =	vsel vm1, $0x186, v1  }
0x8e: {  	s12 =	simm.s32 $0x3;
	s13 =	simm.s32 $0x0;
	s6 =	sor.u32 s4, s6;
	[tilespmem:$0x1FFA0] =	vst v48;
	v0 =	vsel vm3, $0x196, v0;
	v2 =	vsel vm3, $0x198, v2;
	v1 =	vsel vm3, $0x197, v1  }
0x8f: {  	s1 =	rddreg [dreg:$0x2];
	s4 =	ssub.s32 $0x2, s4;
	s7 =	smul.u32 $0x1800, s6;
	[tilespmem:$0x1FF90] =	vst v47;
	v0 =	vsel vm4, $0x1A7, v0;
	v2 =	vsel vm4, $0x1A9, v2;
	v1 =	vsel vm4, $0x1A8, v1  }
0x90: {  	[smem:$0x7FF] =	sst s2;
	s8 =	sshrl.u32 s4, $0x1;
	s6 =	sshll.u32 s6, $0x6;
	[tilespmem:$0x1FFD0] =	vst v53;
	v0 =	vsel vm5, $0x1B8, v0;
	v2 =	vsel vm5, $0x1BA, v2;
	v1 =	vsel vm5, $0x1B9, v1  }
0x91: {  	s8 =	ssub.s32 s4, s8;
	s5 =	sadd.s32 s5, s6;
	s7 =	sadd.s32 s7, s3;
	[tilespmem:$0x1FFC0] =	vst v52;
	v0 =	vsel vm6, $0x1C9, v0;
	v2 =	vsel vm6, $0x1CB, v2;
	v1 =	vsel vm6, $0x1CA, v1  }
0x92: {  	s3 =	sadd.s32 $0x30400, s3;
	s6 =	smax.u32 s8, $0x1;
	s4 =	sadd.s32 $0x400, s7;
	[tilespmem:$0x1FFF0] =	vst v57;
	v0 =	vsel vm7, $0x1DA, v0;
	v2 =	vsel vm7, $0x1DC, v2;
	v1 =	vsel vm7, $0x1DB, v1  }
0x93: {  	s8 =	simm.s32 $0x5;
	s7 =	simm.s32 $0x18000;
	_ =	strace $0x80000047;
	v29 =	vsel vm9, $0x1EB, v0;
	v31 =	vsel vm9, $0x1ED, v2;
	v30 =	vsel vm9, $0x1EC, v1  }
.LBB2_1:
0x94: {  	[tilespmem:s7], [sflag:$0x5] =	stream.linear.gather [hbm4b:s3+s2], $0x1800, $0x38;
	[tilespmem:$0x19E00] =	vst v63  }
0x95: {  	_ =	swait.ge [sflag:s8], $0x1800  }
0x96: {  	[sflag:s8] =	ssyncset.done $0x0  }
0x97: {  	[sflag:s8] =	ssyncadd.s32 $0xFFFFE800  }
0x98: {  	[tilespmem:s2], [sflag:$0x1] =	stream.linear.gather [hbm4b:s4+s2], $0xC000, $0x38;
	[tilespmem:$0x19E00] =	vst v63  }
0x99: {  	_ =	swait.ge [sflag:s9], $0xC000  }
0x9a: {  	[sflag:s9] =	ssyncset.done $0x0  }
0x9b: {  	s14 =	simm.s32 $0x0;
	s15 =	simm.s32 $0x0;
	[sflag:s9] =	ssyncadd.s32 $0xFFFF4000  }
.LBB2_2:
0x9c: {  	s16 =	simm.s32 $0x0  }
0x9d: {  	v52 =	vmov s14;
	v42 =	vld [tilespmem:s16+$0x19200]  }
0x9e: {  	v46 =	vld [tilespmem:s16+$0x18C00]  }
0x9f: {  	v41 =	vld [tilespmem:s16+$0x18000]  }
0xa0: {  	v37 =	vld [tilespmem:s16+$0x18900]  }
0xa1: {  	v43 =	vld [tilespmem:s16+$0x19500]  }
0xa2: {  	v0 =	vld.idx.msk [tilespmem:v52+s16+$0x900 ss:$0x1], $0xffff  }
0xa3: {  	v48 =	vld [tilespmem:s16+$0x18F00]  }
0xa4: {  	v34 =	vimm.f32 $0.0e+00;
	v50 =	vimm.f32 $0.0e+00;
	v60 =	vimm.f32 $0.0e+00;
	v47 =	vld.idx.msk [tilespmem:v52+s16+$0x600 ss:$0x1], $0xffff  }
0xa5: {  	v59 =	vimm.f32 $0.0e+00;
	v63 =	vimm.f32 $0.0e+00;
	v56 =	vimm.f32 $0.0e+00;
	v54 =	vld.idx.msk [tilespmem:v52+s16+$0x0 ss:$0x1], $0xffff  }
0xa6: {  	v9 =	vimm.f32 $0.0e+00;
	v7 =	vimm.f32 $0.0e+00;
	v53 =	vimm.f32 $0.0e+00;
	v58 =	vld.idx.msk [tilespmem:v52+s16+$0x300 ss:$0x1], $0xffff  }
0xa7: {  	v6 =	vimm.f32 $0.0e+00;
	v55 =	vimm.f32 $0.0e+00;
	v1 =	vld [tilespmem:s16+$0x18300];
	v2 =	vmul.f32 v0, v46  }
0xa8: {  	v61 =	vimm.f32 $0.0e+00;
	v39 =	vld [tilespmem:s16+$0x18600];
	v3 =	vmul.f32 v0, v42;
	v4 =	vmul.f32 v0, v37  }
0xa9: {  	v8 =	vimm.f32 $0.0e+00;
	v5 =	vmul.f32 v47, v42;
	v51 =	vmul.f32 v47, v46  }
0xaa: {  	v11 =	vimm.f32 $0.0e+00;
	v10 =	vmul.f32 v54, v42;
	v18 =	vmul.f32 v54, v48  }
0xab: {  	v57 =	vimm.f32 $0.0e+00;
	v16 =	vmul.f32 v58, v41;
	v13 =	vmul.f32 v47, v43  }
0xac: {  	v12 =	vimm.f32 $0.0e+00;
	v14 =	vmul.f32 v58, v1;
	v15 =	vmul.f32 v0, v1  }
0xad: {  	v62 =	vimm.f32 $0.0e+00;
	v19 =	vmul.f32 v58, v39;
	v17 =	vmul.f32 v58, v37  }
0xae: {  	v32 =	vadd.f32 v2, v34;
	v2 =	vmul.f32 v0, v39;
	v33 =	vadd.f32 v3, v34  }
0xaf: {  	v35 =	vadd.f32 v4, v34;
	v3 =	vmul.f32 v0, v43;
	v4 =	vmul.f32 v47, v1  }
0xb0: {  	v44 =	vadd.f32 v5, v34;
	v5 =	vimm.f32 $0.0e+00;
	v38 =	vadd.f32 v2, v34  }
0xb1: {  	v2 =	vmul.f32 v0, v48;
	v36 =	vadd.f32 v3, v34;
	v3 =	vmul.f32 v0, v41  }
0xb2: {  	v49 =	vadd.f32 v4, v34;
	v4 =	vmul.f32 v54, v1;
	v0 =	vimm.f32 $0.0e+00  }
0xb3: {  	v1 =	vimm.f32 $0.0e+00;
	v40 =	vadd.f32 v2, v34;
	v45 =	vadd.f32 v3, v34  }
0xb4: {  	s16 =	simm.s32 $0x40;
	v3 =	vadd.f32 v4, v34;
	v4 =	vimm.f32 $0.0e+00;
	v2 =	vimm.f32 $0.0e+00  }
.LBB2_3:
0xb5: {  	s17 =	sshra.s32 s16, $0x2;
	p0 =	sne.s32 s16, $0xBC0;
	s16 =	sadd.s32 $0x40, s16;
	v20 =	vmul.f32 v58, v46;
	v21 =	vmul.f32 v58, v48;
	v34 =	vadd.f32 v15, v34  }
0xb6: {  	v22 =	vmul.f32 v54, v41;
	v23 =	vmul.f32 v58, v42;
	v50 =	vadd.f32 v13, v50;
	v15 =	vld.idx.msk [tilespmem:v52+s17+$0x900 ss:$0x1], $0xffff  }
0xb7: {  	v13 =	vmul.f32 v54, v37;
	v42 =	vld [tilespmem:s17+$0x19200];
	v60 =	vadd.f32 v20, v60;
	v20 =	vmul.f32 v47, v41  }
0xb8: {  	v24 =	vmul.f32 v54, v46;
	v4 =	vadd.f32 v18, v4;
	v59 =	vadd.f32 v21, v59;
	v46 =	vld [tilespmem:s17+$0x18C00]  }
0xb9: {  	v18 =	vmul.f32 v47, v39;
	v63 =	vadd.f32 v19, v63;
	v19 =	vmul.f32 v47, v48;
	v41 =	vld [tilespmem:s17+$0x18000]  }
0xba: {  	v2 =	vadd.f32 v16, v2;
	v16 =	vmul.f32 v47, v37;
	v56 =	vadd.f32 v20, v56;
	v37 =	vld [tilespmem:s17+$0x18900]  }
0xbb: {  	v9 =	vadd.f32 v13, v9;
	v7 =	vadd.f32 v24, v7;
	v13 =	vmul.f32 v58, v43;
	v20 =	vld [tilespmem:s17+$0x18600]  }
0xbc: {  	v0 =	vadd.f32 v17, v0;
	v21 =	vmul.f32 v54, v43;
	v53 =	vadd.f32 v19, v53;
	v43 =	vld [tilespmem:s17+$0x19500]  }
0xbd: {  	v6 =	vadd.f32 v10, v6;
	v55 =	vadd.f32 v16, v55;
	v48 =	vld [tilespmem:s17+$0x18F00];
	v17 =	vmul.f32 v15, v46  }
0xbe: {  	v5 =	vadd.f32 v14, v5;
	v61 =	vadd.f32 v13, v61;
	v10 =	vmul.f32 v15, v42;
	v47 =	vld.idx.msk [tilespmem:v52+s17+$0x600 ss:$0x1], $0xffff  }
0xbf: {  	v8 =	vadd.f32 v21, v8;
	v19 =	vld [tilespmem:s17+$0x18300];
	v13 =	vmul.f32 v15, v37;
	v32 =	vadd.f32 v17, v32  }
0xc0: {  	v11 =	vadd.f32 v22, v11;
	v33 =	vadd.f32 v10, v33;
	v10 =	vmul.f32 v54, v39;
	v54 =	vld.idx.msk [tilespmem:v52+s17+$0x0 ss:$0x1], $0xffff  }
0xc1: {  	v57 =	vadd.f32 v51, v57;
	v39 =	vmov v20;
	v58 =	vld.idx.msk [tilespmem:v52+s17+$0x300 ss:$0x1], $0xffff;
	v35 =	vadd.f32 v13, v35  }
0xc2: {  	v1 =	vadd.f32 v23, v1;
	v12 =	vadd.f32 v10, v12;
	v13 =	vmul.f32 v15, v39  }
0xc3: {  	v62 =	vadd.f32 v18, v62;
	v10 =	vmul.f32 v15, v43  }
0xc4: {  	v17 =	vmul.f32 v47, v42;
	v38 =	vadd.f32 v13, v38;
	v14 =	vmul.f32 v47, v19  }
0xc5: {  	v20 =	vmul.f32 v15, v48;
	v51 =	vmul.f32 v47, v46;
	v36 =	vadd.f32 v10, v36  }
.Ltmp0:
0xc6: {  	v21 =	vmul.f32 v15, v41;
	v10 =	vmul.f32 v54, v42;
	v49 =	vadd.f32 v14, v49;
	(pc) =	sbr.rel @p0 .LBB2_3-.Ltmp0, $4  }
0xc7: {  	v18 =	vmul.f32 v54, v48;
	v44 =	vadd.f32 v17, v44;
	v16 =	vmul.f32 v58, v41  }
0xc8: {  	v13 =	vmul.f32 v47, v43;
	v40 =	vadd.f32 v20, v40;
	v17 =	vmul.f32 v54, v19  }
0xc9: {  	v45 =	vadd.f32 v21, v45;
	v15 =	vmul.f32 v15, v19;
	v14 =	vmul.f32 v58, v19  }
0xca: {  	v19 =	vmul.f32 v58, v39;
	v3 =	vadd.f32 v17, v3;
	v17 =	vmul.f32 v58, v37  }
0xcb: {  	[tilespmem:$0x19D10] =	vst v49  }
0xcc: {  	[tilespmem:$0x19D60] =	vst v44  }
0xcd: {  	[tilespmem:$0x19D80] =	vst v45  }
0xce: {  	[tilespmem:$0x19DA0] =	vst v38  }
0xcf: {  	[tilespmem:$0x19DB0] =	vst v35  }
0xd0: {  	[tilespmem:$0x19DC0] =	vst v32  }
0xd1: {  	[tilespmem:$0x19DD0] =	vst v40  }
0xd2: {  	[tilespmem:$0x19DE0] =	vst v33  }
0xd3: {  	v4 =	vadd.f32 v18, v4;
	[tilespmem:$0x19DF0] =	vst v36  }
0xd4: {  	v6 =	vadd.f32 v10, v6;
	[tilespmem:$0x19C10] =	vst v3  }
0xd5: {  	v2 =	vadd.f32 v16, v2;
	[tilespmem:$0x19C50] =	vst v4  }
0xd6: {  	v20 =	vmul.f32 v54, v41;
	v63 =	vadd.f32 v19, v63;
	[tilespmem:$0x19C60] =	vst v6  }
0xd7: {  	v52 =	vmul.f32 v54, v39;
	v0 =	vadd.f32 v17, v0;
	[tilespmem:$0x19C80] =	vst v2  }
0xd8: {  	v21 =	vmul.f32 v54, v37;
	v11 =	vadd.f32 v20, v11;
	[tilespmem:$0x19CA0] =	vst v63  }
0xd9: {  	v23 =	vmul.f32 v54, v43;
	v12 =	vadd.f32 v52, v12;
	[tilespmem:$0x19CB0] =	vst v0  }
0xda: {  	v9 =	vadd.f32 v21, v9;
	[tilespmem:$0x19C00] =	vst v11  }
0xdb: {  	v52 =	vadd.f32 v23, v8;
	[tilespmem:$0x19C20] =	vst v12  }
0xdc: {  	v17 =	vmul.f32 v47, v39;
	v20 =	vmul.f32 v54, v46;
	v54 =	vadd.f32 v14, v5;
	[tilespmem:$0x19C30] =	vst v9  }
0xdd: {  	v19 =	vmul.f32 v47, v48;
	v23 =	vadd.f32 v15, v34;
	[tilespmem:$0x19C70] =	vst v52  }
0xde: {  	v0 =	vadd.f32 v17, v62;
	[tilespmem:$0x19C90] =	vst v54  }
0xdf: {  	v8 =	vmul.f32 v58, v46;
	v21 =	vadd.f32 v19, v53;
	[tilespmem:$0x19D90] =	vst v23  }
0xe0: {  	v10 =	vmul.f32 v58, v42;
	v22 =	vadd.f32 v20, v7;
	[tilespmem:$0x19D20] =	vst v0  }
0xe1: {  	v14 =	vmul.f32 v47, v41;
	v2 =	vadd.f32 v8, v60;
	[tilespmem:$0x19D50] =	vst v21  }
0xe2: {  	v12 =	vadd.f32 v10, v1;
	[tilespmem:$0x19C40] =	vst v22  }
0xe3: {  	v32 =	vld [tilespmem:$0x1FF60];
	v9 =	vmul.f32 v58, v48;
	v1 =	vadd.f32 v14, v56;
	[tilespmem:$0x19CC0] =	vst v2  }
0xe4: {  	v33 =	vld [tilespmem:$0x1FE70];
	v11 =	vmul.f32 v58, v43;
	v20 =	vadd.f32 v51, v57;
	[tilespmem:$0x19CE0] =	vst v12  }
0xe5: {  	v18 =	vmul.f32 v47, v37;
	v4 =	vadd.f32 v9, v59;
	[tilespmem:$0x19D00] =	vst v1  }
0xe6: {  	v34 =	vld [tilespmem:$0x1FE80];
	v16 =	vadd.f32 v11, v61;
	[tilespmem:$0x19D40] =	vst v20  }
0xe7: {  	v2 =	vadd.f32 v18, v55;
	[tilespmem:$0x19CD0] =	vst v4  }
0xe8: {  	v35 =	vld [tilespmem:$0x1FE90];
	v22 =	vadd.f32 v13, v50;
	[tilespmem:$0x19CF0] =	vst v16  }
0xe9: {  	v36 =	vld [tilespmem:$0x1FEA0];
	[tilespmem:$0x19D30] =	vst v2  }
0xea: {  	v37 =	vld [tilespmem:$0x1FEB0];
	[tilespmem:$0x19D70] =	vst v22  }
0xeb: {  	v0 =	vld.idx.msk [tilespmem:v32+s10+$0x0], $0xffff  }
0xec: {  	v1 =	vld.idx.msk [tilespmem:v33+s10+$0x0], $0xffff  }
0xed: {  	v38 =	vld [tilespmem:$0x1FEC0]  }
0xee: {  	v2 =	vld.idx.msk [tilespmem:v34+s10+$0x0], $0xffff  }
0xef: {  	v39 =	vld [tilespmem:$0x1FED0]  }
0xf0: {  	v3 =	vld.idx.msk [tilespmem:v35+s10+$0x0], $0xffff  }
0xf1: {  	v40 =	vld [tilespmem:$0x1FEE0];
	v0 =	vadd.f32 v1, v0  }
0xf2: {  	v1 =	vld.idx.msk [tilespmem:v36+s10+$0x0], $0xffff  }
0xf3: {  	v41 =	vld [tilespmem:$0x1FEF0];
	v0 =	vadd.f32 v2, v0  }
0xf4: {  	v2 =	vld.idx.msk [tilespmem:v37+s10+$0x0], $0xffff  }
0xf5: {  	v42 =	vld [tilespmem:$0x1FF00];
	v0 =	vadd.f32 v3, v0  }
0xf6: {  	v3 =	vld.idx.msk [tilespmem:v38+s10+$0x0], $0xffff  }
0xf7: {  	v43 =	vld [tilespmem:$0x1FF10];
	v0 =	vadd.f32 v1, v0  }
0xf8: {  	v1 =	vld.idx.msk [tilespmem:v39+s10+$0x0], $0xffff  }
0xf9: {  	v44 =	vld [tilespmem:$0x1FF20];
	v0 =	vadd.f32 v2, v0  }
0xfa: {  	v2 =	vld.idx.msk [tilespmem:v40+s10+$0x0], $0xffff  }
0xfb: {  	v45 =	vld [tilespmem:$0x1FF30];
	v0 =	vadd.f32 v3, v0  }
0xfc: {  	v3 =	vld.idx.msk [tilespmem:v41+s10+$0x0], $0xffff  }
0xfd: {  	v46 =	vld [tilespmem:$0x1FF40];
	v0 =	vadd.f32 v1, v0  }
0xfe: {  	v1 =	vld.idx.msk [tilespmem:v42+s10+$0x0], $0xffff  }
0xff: {  	v47 =	vld [tilespmem:$0x1FF50];
	v0 =	vadd.f32 v2, v0  }
0x100: {  	v2 =	vld.idx.msk [tilespmem:v43+s10+$0x0], $0xffff  }
0x101: {  	v0 =	vadd.f32 v3, v0  }
0x102: {  	v3 =	vld.idx.msk [tilespmem:v44+s10+$0x0], $0xffff  }
0x103: {  	v0 =	vadd.f32 v1, v0  }
0x104: {  	v1 =	vld.idx.msk [tilespmem:v45+s10+$0x0], $0xffff  }
0x105: {  	v0 =	vadd.f32 v2, v0  }
0x106: {  	v2 =	vld.idx.msk [tilespmem:v46+s10+$0x0], $0xffff  }
0x107: {  	v48 =	vld [tilespmem:$0x1FF70];
	v0 =	vadd.f32 v3, v0  }
0x108: {  	v3 =	vld.idx.msk [tilespmem:v47+s10+$0x0], $0xffff  }
0x109: {  	v49 =	vld [tilespmem:$0x1FF80];
	v0 =	vadd.f32 v1, v0;
	_ =	sdelay $0x1  }
0x10a: {  	v50 =	vld [tilespmem:$0x1FF90];
	v0 =	vadd.f32 v2, v0;
	_ =	sdelay $0x1  }
0x10b: {  	s16 =	sshll.u32 s15, $0x5;
	v51 =	vld [tilespmem:$0x1FFA0];
	v0 =	vadd.f32 v3, v0  }
0x10c: {  	s16 =	sand.u32 $0x3FFFFFE0, s16;
	v53 =	vld [tilespmem:$0x1FFC0]  }
0x10d: {  	v52 =	vld [tilespmem:$0x1FFB0];
	[tilespmem:s16+$0x19800] =	vst v0  }
0x10e: {  	v0 =	vld.idx.msk [tilespmem:v48+s10+$0x0], $0xffff  }
0x10f: {  	v1 =	vld.idx.msk [tilespmem:v49+s10+$0x0], $0xffff  }
0x110: {  	v54 =	vld [tilespmem:$0x1FFD0]  }
0x111: {  	v2 =	vld.idx.msk [tilespmem:v50+s10+$0x0], $0xffff  }
0x112: {  	v55 =	vld [tilespmem:$0x1FFE0]  }
0x113: {  	v3 =	vld.idx.msk [tilespmem:v51+s10+$0x0], $0xffff  }
0x114: {  	v56 =	vld [tilespmem:$0x1FFF0];
	v0 =	vadd.f32 v1, v0  }
0x115: {  	v1 =	vld.idx.msk [tilespmem:v52+s10+$0x0], $0xffff  }
0x116: {  	v0 =	vadd.f32 v2, v0  }
0x117: {  	v2 =	vld.idx.msk [tilespmem:v53+s10+$0x0], $0xffff  }
0x118: {  	v0 =	vadd.f32 v3, v0  }
0x119: {  	v3 =	vld.idx.msk [tilespmem:v54+s10+$0x0], $0xffff  }
0x11a: {  	v0 =	vadd.f32 v1, v0  }
0x11b: {  	v1 =	vld.idx.msk [tilespmem:v55+s10+$0x0], $0xffff  }
0x11c: {  	v0 =	vadd.f32 v2, v0  }
0x11d: {  	v2 =	vld.idx.msk [tilespmem:v56+s10+$0x0], $0xffff  }
0x11e: {  	v0 =	vadd.f32 v3, v0  }
0x11f: {  	v57 =	vld.idx.msk [tilespmem:v25+s10+$0x0], $0xffff  }
0x120: {  	v0 =	vadd.f32 v1, v0  }
0x121: {  	v58 =	vld.idx.msk [tilespmem:v26+s10+$0x0], $0xffff  }
0x122: {  	v0 =	vadd.f32 v2, v0  }
0x123: {  	v59 =	vld.idx.msk [tilespmem:v27+s10+$0x0], $0xffff  }
0x124: {  	v0 =	vadd.f32 v57, v0  }
0x125: {  	v60 =	vld.idx.msk [tilespmem:v28+s10+$0x0], $0xffff  }
0x126: {  	v0 =	vadd.f32 v58, v0  }
0x127: {  	v61 =	vld.idx.msk [tilespmem:v29+s10+$0x0], $0xffff  }
0x128: {  	v0 =	vadd.f32 v59, v0  }
0x129: {  	v62 =	vld.idx.msk [tilespmem:v30+s10+$0x0], $0xffff  }
0x12a: {  	v0 =	vadd.f32 v60, v0  }
0x12b: {  	v63 =	vld.idx.msk [tilespmem:v31+s10+$0x0], $0xffff  }
0x12c: {  	s15 =	sadd.s32 $0x1, s15;
	v0 =	vadd.f32 v61, v0  }
0x12d: {  	p0 =	sne.s32 s15, $0x10  }
.Ltmp1:
0x12e: {  	v0 =	vadd.f32 v62, v0;
	(pc) =	sbr.rel @p0 .LBB2_2-.Ltmp1, $3  }
0x12f: {  	_ = 	snop  }
0x130: {  	v0 =	vadd.f32 v63, v0;
	_ =	sdelay $0x1  }
0x131: {  	s14 =	sadd.s32 $0xC00, s14;
	[tilespmem:s16+$0x19810] =	vst v0  }
0x132: {  	s13 =	sadd.s32 $0x1, s13  }
0x133: {  	p0 =	sne.s32 s13, s6  }
.Ltmp2:
0x134: {  	_ = 	snop;
	(pc) =	sbr.rel @p0 .LBB2_1-.Ltmp2, $4  }
0x135: {  	[hbm4b:s5+s2] =	stream.linear.scatter [tilespmem:s11], [sflag:$0x3], $0x200, $0x38;
	[tilespmem:$0x19E00] =	vst v63  }
0x136: {  	_ =	swait.ge [sflag:s12], $0x200  }
0x137: {  	[sflag:s12] =	ssyncset.done $0x0  }
0x138: {  	[sflag:s12] =	ssyncadd.s32 $0xFFFFFE00  }
0x139: {  	_ =	sfence.sel $0x180000  }
0x13a: {  	[bflag:$0x0] =	sbarrier.arrive $0xFFFF  }
0x13b: {  	p0 =	sne.s32 s0, $0x0;
	_ =	strace $0x90000047  }
0x13c: {  	s0 =	sadd.s32 @!p0 $0x100000, s1;
	[bflag:$0x2] =	sbarrier.arrive $0xFFFF  }
0x13d: {  	[sflag:s0] =	ssyncadd.tile.s32 @!p0 $0x1;
	_ =	shalt  }
.Lfunc_end2:
_tile_overlayer_lowered:
.L_overlay_start_2:
0x13e: {  	(tag) =	ssettag $0x2  }
0x13f: {  	s0 =	rddreg [dreg:$0x0];
	s2 =	stileid.u32  }
0x140: {  	s1 =	rddreg [dreg:$0x1];
	p0 =	sne.s32 s2, $0x0  }
0x141: {  	s3 =	rddreg [dreg:$0x2];
	[bflag:$0x3] =	sbarrier.arrive $0xFFFF;
	s2 =	simm.s32 @!p0 $0x1C05  }
0x142: {  	[timem:s3], [sflag:s2] =	dma.local @!p0 [hbm:s0], s1  }
0x143: {  	s0 =	simm.s32 @!p0 $0x5  }
0x144: {  	_ =	swait.ge @!p0 [sflag:s0], s1  }
0x145: {  	s1 =	ssub.s32 @!p0 $0x0, s1;
	[sflag:s0] =	ssyncset.done @!p0 $0x0  }
0x146: {  	[sflag:s0] =	ssyncadd.s32 @!p0 s1  }
0x147: {  	[bflag:$0x3] =	sbarrier.arrive $0xFFFF  }
0x148: {  	_ =	shalt  }

</sc_bundles>
